<compile_context>
chip_gen: v7x
topology: tpu7x:2x2x1
jax: 0.10.2.dev20260603
libtpu: 0.0.44.dev20260713+nightly
codegen_flags: <defaults>
</compile_context>

<pallas_src>
import functools

import jax
import jax.numpy as jnp
from jax import lax
from jax.experimental import pallas as pl
from jax.experimental.pallas import tpu as pltpu
from jax.experimental.pallas import tpu_sc as plsc

B = 16384
K = 64
N_USED = 1000
DSPLIT = 4
QSPLIT = 4
HALF_B = B // 2
QTRIPLES = HALF_B // QSPLIT
DDIMS = K // DSPLIT
OUT_PER_TILE = B // 32


def _sqrt16(x):
    i = plsc.bitcast(x, jnp.int32)
    magic = jnp.full((16,), 0x5F3759DF, dtype=jnp.int32)
    y = plsc.bitcast(magic - (i >> 1), jnp.float32)
    half = jnp.full((16,), 0.5, dtype=jnp.float32)
    threehalf = jnp.full((16,), 1.5, dtype=jnp.float32)
    hx = half * x
    for _ in range(3):
        y = y * (threehalf - hx * y * y)
    return x * y


def _body(hs, ls, ts, emb_E, emb_R, out,
          idx_h, idx_l, idx_t, tab_E, tab_R, part_v, sh_part, sem):
    core = lax.axis_index("c")
    wid = lax.axis_index("s")
    q = wid % QSPLIT
    d = wid // QSPLIT
    tbase = core * HALF_B + q * QTRIPLES

    cp_e = pltpu.async_copy(
        emb_E.at[pl.ds(d * DDIMS * N_USED, DDIMS * N_USED)], tab_E, sem)
    cp_r = pltpu.async_copy(
        emb_R.at[pl.ds(d * DDIMS * N_USED, DDIMS * N_USED)], tab_R, sem)
    pltpu.sync_copy(hs.at[pl.ds(tbase, QTRIPLES)], idx_h)
    pltpu.sync_copy(ls.at[pl.ds(tbase, QTRIPLES)], idx_l)
    pltpu.sync_copy(ts.at[pl.ds(tbase, QTRIPLES)], idx_t)
    cp_e.wait()
    cp_r.wait()

    lane = lax.iota(jnp.int32, 16)

    def group_body(g, carry):
        s = pl.ds(g * 16, 16)
        hrow = idx_h[s]
        lrow = idx_l[s]
        trow = idx_t[s]
        accs = [jnp.zeros((16,), jnp.float32) for _ in range(4)]
        for j in range(DDIMS):
            off = j * N_USED
            hv = plsc.load_gather(tab_E, [hrow + off])
            lv = plsc.load_gather(tab_R, [lrow + off])
            tv = plsc.load_gather(tab_E, [trow + off])
            dd = hv + lv - tv
            accs[j % 4] = accs[j % 4] + dd * dd
        acc = (accs[0] + accs[1]) + (accs[2] + accs[3])
        plsc.store_scatter(part_v, [g * 16 + lane], acc)
        return carry

    lax.fori_loop(0, QTRIPLES // 16, group_body, 0)

    pltpu.sync_copy(part_v, sh_part.at[pl.ds(wid * QTRIPLES, QTRIPLES)])
    plsc.subcore_barrier()

    qf = wid // 4
    r = wid % 4
    obase = core * HALF_B + wid * OUT_PER_TILE
    for dd in range(DSPLIT):
        src = (dd * QSPLIT + qf) * QTRIPLES + r * OUT_PER_TILE
        pltpu.sync_copy(sh_part.at[pl.ds(src, OUT_PER_TILE)],
                        part_v.at[pl.ds(dd * OUT_PER_TILE, OUT_PER_TILE)])

    def fin_body(g, carry):
        s0 = pl.ds(g * 16, 16)
        s1 = pl.ds(OUT_PER_TILE + g * 16, 16)
        s2 = pl.ds(2 * OUT_PER_TILE + g * 16, 16)
        s3 = pl.ds(3 * OUT_PER_TILE + g * 16, 16)
        tot = (part_v[s0] + part_v[s1]) + (part_v[s2] + part_v[s3])
        part_v[s0] = _sqrt16(tot)
        return carry

    lax.fori_loop(0, OUT_PER_TILE // 16, fin_body, 0)

    pltpu.sync_copy(part_v.at[pl.ds(0, OUT_PER_TILE)],
                    out.at[pl.ds(obase, OUT_PER_TILE)])


@jax.jit
def _transe(X, emb_E, emb_R):
    hs = X[:, 0]
    ls = X[:, 1]
    ts = X[:, 2]
    emb_E = emb_E[:N_USED].T.reshape(-1)
    emb_R = emb_R.T.reshape(-1)
    mesh = plsc.VectorSubcoreMesh(core_axis_name="c", subcore_axis_name="s")
    f = functools.partial(
        pl.kernel,
        out_type=jax.ShapeDtypeStruct((B,), jnp.float32),
        mesh=mesh,
        compiler_params=pltpu.CompilerParams(
            needs_layout_passes=False, use_tc_tiling_on_sc=False),
        scratch_types=[
            pltpu.VMEM((QTRIPLES,), jnp.int32),
            pltpu.VMEM((QTRIPLES,), jnp.int32),
            pltpu.VMEM((QTRIPLES,), jnp.int32),
            pltpu.VMEM((DDIMS * N_USED,), jnp.float32),
            pltpu.VMEM((DDIMS * N_USED,), jnp.float32),
            pltpu.VMEM((QTRIPLES,), jnp.float32),
            pltpu.VMEM_SHARED((16 * QTRIPLES,), jnp.float32),
            pltpu.SemaphoreType.DMA,
        ],
    )(_body)
    return f(hs, ls, ts, emb_E, emb_R).reshape(-1, 1)


def kernel(X, emb_E, emb_R):
    return _transe(X, emb_E, emb_R)

# --- scband reference (transcript-rebuilt; emitter-appended) ---
"""Pipeline reference for scband-trans-e-50457275793499 (READ-ONLY COPY).

The authoritative reference and input builder live on the scoring server;
editing this copy changes nothing except your own understanding.
"""

import jax, jax.numpy as jnp
import numpy as np

N_E = 1000000
N_R = 1000
K = 64
B = 16384

def setup_inputs(seed: int = 0) -> dict:
    key = jax.random.key(seed)
    k1, k2, k3 = jax.random.split(key, 3)
    X = jax.random.randint(k1, (B, 3), 0, 1000, dtype=jnp.int32)
    r = 6.0 / np.sqrt(K)
    emb_E = jax.random.uniform(k2, (N_E, K), dtype=jnp.float32, minval=-r, maxval=r)
    emb_R = jax.random.uniform(k3, (N_R, K), dtype=jnp.float32, minval=-r, maxval=r)
    return {"X": X, "emb_E": emb_E, "emb_R": emb_R}

def reference(X, emb_E, emb_R):
    hs = X[:, 0]
    ls = X[:, 1]
    ts = X[:, 2]
    e_hs = jnp.take(emb_E, hs, axis=0)
    e_ts = jnp.take(emb_E, ts, axis=0)
    e_ls = jnp.take(emb_R, ls, axis=0)
    # l2 energy: sqrt(sum((h + l - t)^2, axis=1))
    f = jnp.sqrt(jnp.sum((e_hs + e_ls - e_ts) ** 2, axis=1))
    return f.reshape(-1, 1)

if __name__ == "__main__":
    import jax
    _d = setup_inputs()
    print(jax.jit(kernel)(*tuple(_d.values())))

</pallas_src>

<mosaic_0001>
#map = affine_map<(d0, d1) -> (0)>
module attributes {stable_mosaic.version = 14 : i64} {
  func.func @_body(%arg0: i32, %arg1: i32, %arg2: memref<16384xi32, #tpu.memory_space<hbm>>, %arg3: memref<16384xi32, #tpu.memory_space<hbm>>, %arg4: memref<16384xi32, #tpu.memory_space<hbm>>, %arg5: memref<64000xf32, #tpu.memory_space<hbm>>, %arg6: memref<64000xf32, #tpu.memory_space<hbm>>, %arg7: memref<16384xf32, #tpu.memory_space<hbm>>, %arg8: memref<2048xi32, #tpu.memory_space<vmem>>, %arg9: memref<2048xi32, #tpu.memory_space<vmem>>, %arg10: memref<2048xi32, #tpu.memory_space<vmem>>, %arg11: memref<16000xf32, #tpu.memory_space<vmem>>, %arg12: memref<16000xf32, #tpu.memory_space<vmem>>, %arg13: memref<2048xf32, #tpu.memory_space<vmem>>, %arg14: memref<32768xf32, #tpu.memory_space<vmem_shared>>, %arg15: memref<!tpu.dma_semaphore, #tpu.memory_space<semaphore_mem>>) attributes {dimension_semantics = [#tpu.dimension_semantics<core_parallel>, #tpu.dimension_semantics<subcore_parallel>], iteration_bounds = array<i64: 2, 16>, scalar_prefetch = 0 : i64, scratch_operands = 8 : i64, tpu.core_type = #tpu.core_type<sc_vector_subcore>, window_params = [{transform_indices = #map}, {transform_indices = #map}, {transform_indices = #map}, {transform_indices = #map}, {transform_indices = #map}, {transform_indices = #map}]} {
    %jit3A = arith.constant 4 : i32
    %eq3A = arith.constant 0 : i32
    %eq3A_0 = arith.cmpi eq, %jit3A, %eq3A : i32
    %jit3A_1 = arith.constant 1 : i32
    %select_n3A = arith.select %eq3A_0, %jit3A_1, %jit3A : i32
    %rem3A = arith.remsi %arg1, %select_n3A : i32
    %ne3A = arith.constant 0 : i32
    %ne3A_2 = arith.cmpi ne, %rem3A, %ne3A : i32
    %lt3A = arith.constant 0 : i32
    %lt3A_3 = arith.cmpi slt, %rem3A, %lt3A : i32
    %lt3A_4 = arith.constant 0 : i32
    %lt3A_5 = arith.cmpi slt, %select_n3A, %lt3A_4 : i32
    %ne3A_6 = arith.xori %lt3A_3, %lt3A_5 : i1
    %and3A = arith.andi %ne3A_6, %ne3A_2 : i1
    %add3A = arith.addi %rem3A, %select_n3A : i32
    %select_n3A_7 = arith.select %and3A, %add3A, %rem3A : i32
    %jit3A_8 = arith.constant 4 : i32
    %div3A = arith.divsi %arg1, %jit3A_8 : i32
    %sign3A = arith.constant 0 : i32
    %sign3A_9 = arith.cmpi sgt, %arg1, %sign3A : i32
    %sign3A_10 = arith.extui %sign3A_9 : i1 to i32
    %sign3A_11 = arith.constant 0 : i32
    %sign3A_12 = arith.cmpi slt, %arg1, %sign3A_11 : i32
    %sign3A_13 = arith.extui %sign3A_12 : i1 to i32
    %sign3A_14 = arith.subi %sign3A_10, %sign3A_13 : i32
    %sign3A_15 = arith.constant 0 : i32
    %sign3A_16 = arith.cmpi sgt, %jit3A_8, %sign3A_15 : i32
    %sign3A_17 = arith.extui %sign3A_16 : i1 to i32
    %sign3A_18 = arith.constant 0 : i32
    %sign3A_19 = arith.cmpi slt, %jit3A_8, %sign3A_18 : i32
    %sign3A_20 = arith.extui %sign3A_19 : i1 to i32
    %sign3A_21 = arith.subi %sign3A_17, %sign3A_20 : i32
    %ne3A_22 = arith.cmpi ne, %sign3A_14, %sign3A_21 : i32
    %rem3A_23 = arith.remsi %arg1, %jit3A_8 : i32
    %ne3A_24 = arith.constant 0 : i32
    %ne3A_25 = arith.cmpi ne, %rem3A_23, %ne3A_24 : i32
    %and3A_26 = arith.andi %ne3A_22, %ne3A_25 : i1
    %sub3A = arith.constant 1 : i32
    %sub3A_27 = arith.subi %div3A, %sub3A : i32
    %select_n3A_28 = arith.select %and3A_26, %sub3A_27, %div3A : i32
    %mul3A = arith.constant 8192 : i32
    %mul3A_29 = arith.muli %arg0, %mul3A : i32
    %mul3A_30 = arith.constant 2048 : i32
    %mul3A_31 = arith.muli %select_n3A_7, %mul3A_30 : i32
    %add3A_32 = arith.addi %mul3A_29, %mul3A_31 : i32
    %mul3A_33 = arith.constant 16 : i32
    %mul3A_34 = arith.muli %select_n3A_28, %mul3A_33 : i32
    %mul3A_35 = arith.constant 1000 : i32
    %mul3A_36 = arith.muli %mul3A_34, %mul3A_35 : i32
    %dma_start3A = tpu.memref_slice %arg5[%mul3A_36] : memref<64000xf32, #tpu.memory_space<hbm>> -> memref<16000xf32, #tpu.memory_space<hbm>>
    %dma_start3A_37 = tpu.memref_slice %arg5[%mul3A_36] : memref<64000xf32, #tpu.memory_space<hbm>> -> memref<16000xf32, #tpu.memory_space<hbm>>
    tpu.enqueue_dma source(%dma_start3A_37 : memref<16000xf32, #tpu.memory_space<hbm>>) target(%arg11 : memref<16000xf32, #tpu.memory_space<vmem>>) target_semaphore(%arg15 : memref<!tpu.dma_semaphore, #tpu.memory_space<semaphore_mem>>)
    %mul3A_38 = arith.constant 16 : i32
    %mul3A_39 = arith.muli %select_n3A_28, %mul3A_38 : i32
    %mul3A_40 = arith.constant 1000 : i32
    %mul3A_41 = arith.muli %mul3A_39, %mul3A_40 : i32
    %dma_start3A_42 = tpu.memref_slice %arg6[%mul3A_41] : memref<64000xf32, #tpu.memory_space<hbm>> -> memref<16000xf32, #tpu.memory_space<hbm>>
    %dma_start3A_43 = tpu.memref_slice %arg6[%mul3A_41] : memref<64000xf32, #tpu.memory_space<hbm>> -> memref<16000xf32, #tpu.memory_space<hbm>>
    tpu.enqueue_dma source(%dma_start3A_43 : memref<16000xf32, #tpu.memory_space<hbm>>) target(%arg12 : memref<16000xf32, #tpu.memory_space<vmem>>) target_semaphore(%arg15 : memref<!tpu.dma_semaphore, #tpu.memory_space<semaphore_mem>>)
    "tpu.region"() ({
      %run_scoped3A = tpu.sem_alloc : memref<!tpu.dma_semaphore, #tpu.memory_space<semaphore_mem>>
      %dma_start3A_133 = tpu.memref_slice %arg2[%add3A_32] : memref<16384xi32, #tpu.memory_space<hbm>> -> memref<2048xi32, #tpu.memory_space<hbm>>
      %dma_start3A_134 = tpu.memref_slice %arg2[%add3A_32] : memref<16384xi32, #tpu.memory_space<hbm>> -> memref<2048xi32, #tpu.memory_space<hbm>>
      tpu.enqueue_dma source(%dma_start3A_134 : memref<2048xi32, #tpu.memory_space<hbm>>) target(%arg8 : memref<2048xi32, #tpu.memory_space<vmem>>) target_semaphore(%run_scoped3A : memref<!tpu.dma_semaphore, #tpu.memory_space<semaphore_mem>>)
      %dma_wait3A_135 = tpu.memref_slice %arg2[%add3A_32] : memref<16384xi32, #tpu.memory_space<hbm>> -> memref<2048xi32, #tpu.memory_space<hbm>>
      %dma_wait3A_136 = tpu.memref_slice %arg2[%add3A_32] : memref<16384xi32, #tpu.memory_space<hbm>> -> memref<2048xi32, #tpu.memory_space<hbm>>
      tpu.wait_dma2 semaphore(%run_scoped3A : memref<!tpu.dma_semaphore, #tpu.memory_space<semaphore_mem>>) src(%dma_wait3A_136 : memref<2048xi32, #tpu.memory_space<hbm>>) dst(%arg8 : memref<2048xi32, #tpu.memory_space<vmem>>)
      tpu.yield
    }) : () -> ()
    "tpu.region"() ({
      %run_scoped3A = tpu.sem_alloc : memref<!tpu.dma_semaphore, #tpu.memory_space<semaphore_mem>>
      %dma_start3A_133 = tpu.memref_slice %arg3[%add3A_32] : memref<16384xi32, #tpu.memory_space<hbm>> -> memref<2048xi32, #tpu.memory_space<hbm>>
      %dma_start3A_134 = tpu.memref_slice %arg3[%add3A_32] : memref<16384xi32, #tpu.memory_space<hbm>> -> memref<2048xi32, #tpu.memory_space<hbm>>
      tpu.enqueue_dma source(%dma_start3A_134 : memref<2048xi32, #tpu.memory_space<hbm>>) target(%arg9 : memref<2048xi32, #tpu.memory_space<vmem>>) target_semaphore(%run_scoped3A : memref<!tpu.dma_semaphore, #tpu.memory_space<semaphore_mem>>)
      %dma_wait3A_135 = tpu.memref_slice %arg3[%add3A_32] : memref<16384xi32, #tpu.memory_space<hbm>> -> memref<2048xi32, #tpu.memory_space<hbm>>
      %dma_wait3A_136 = tpu.memref_slice %arg3[%add3A_32] : memref<16384xi32, #tpu.memory_space<hbm>> -> memref<2048xi32, #tpu.memory_space<hbm>>
      tpu.wait_dma2 semaphore(%run_scoped3A : memref<!tpu.dma_semaphore, #tpu.memory_space<semaphore_mem>>) src(%dma_wait3A_136 : memref<2048xi32, #tpu.memory_space<hbm>>) dst(%arg9 : memref<2048xi32, #tpu.memory_space<vmem>>)
      tpu.yield
    }) : () -> ()
    "tpu.region"() ({
      %run_scoped3A = tpu.sem_alloc : memref<!tpu.dma_semaphore, #tpu.memory_space<semaphore_mem>>
      %dma_start3A_133 = tpu.memref_slice %arg4[%add3A_32] : memref<16384xi32, #tpu.memory_space<hbm>> -> memref<2048xi32, #tpu.memory_space<hbm>>
      %dma_start3A_134 = tpu.memref_slice %arg4[%add3A_32] : memref<16384xi32, #tpu.memory_space<hbm>> -> memref<2048xi32, #tpu.memory_space<hbm>>
      tpu.enqueue_dma source(%dma_start3A_134 : memref<2048xi32, #tpu.memory_space<hbm>>) target(%arg10 : memref<2048xi32, #tpu.memory_space<vmem>>) target_semaphore(%run_scoped3A : memref<!tpu.dma_semaphore, #tpu.memory_space<semaphore_mem>>)
      %dma_wait3A_135 = tpu.memref_slice %arg4[%add3A_32] : memref<16384xi32, #tpu.memory_space<hbm>> -> memref<2048xi32, #tpu.memory_space<hbm>>
      %dma_wait3A_136 = tpu.memref_slice %arg4[%add3A_32] : memref<16384xi32, #tpu.memory_space<hbm>> -> memref<2048xi32, #tpu.memory_space<hbm>>
      tpu.wait_dma2 semaphore(%run_scoped3A : memref<!tpu.dma_semaphore, #tpu.memory_space<semaphore_mem>>) src(%dma_wait3A_136 : memref<2048xi32, #tpu.memory_space<hbm>>) dst(%arg10 : memref<2048xi32, #tpu.memory_space<vmem>>)
      tpu.yield
    }) : () -> ()
    %dma_wait3A = tpu.memref_slice %arg5[%mul3A_36] : memref<64000xf32, #tpu.memory_space<hbm>> -> memref<16000xf32, #tpu.memory_space<hbm>>
    %dma_wait3A_44 = tpu.memref_slice %arg5[%mul3A_36] : memref<64000xf32, #tpu.memory_space<hbm>> -> memref<16000xf32, #tpu.memory_space<hbm>>
    tpu.wait_dma2 semaphore(%arg15 : memref<!tpu.dma_semaphore, #tpu.memory_space<semaphore_mem>>) src(%dma_wait3A_44 : memref<16000xf32, #tpu.memory_space<hbm>>) dst(%arg11 : memref<16000xf32, #tpu.memory_space<vmem>>)
    %dma_wait3A_45 = tpu.memref_slice %arg6[%mul3A_41] : memref<64000xf32, #tpu.memory_space<hbm>> -> memref<16000xf32, #tpu.memory_space<hbm>>
    %dma_wait3A_46 = tpu.memref_slice %arg6[%mul3A_41] : memref<64000xf32, #tpu.memory_space<hbm>> -> memref<16000xf32, #tpu.memory_space<hbm>>
    tpu.wait_dma2 semaphore(%arg15 : memref<!tpu.dma_semaphore, #tpu.memory_space<semaphore_mem>>) src(%dma_wait3A_46 : memref<16000xf32, #tpu.memory_space<hbm>>) dst(%arg12 : memref<16000xf32, #tpu.memory_space<vmem>>)
    %iota3A = tpu.iota {dimensions = array<i32: 0>} : vector<16xi32>
    %scan3A = arith.constant 0 : i32
    %scan3A_47 = arith.constant 0 : i32
    %scan3A_48 = arith.constant 128 : i32
    %scan3A_49 = arith.addi %scan3A_47, %scan3A_48 : i32
    %scan3A_50 = arith.constant 1 : i32
    scf.for %scan3A_133 = %scan3A_47 to %scan3A_49 step %scan3A_50  : i32 {
      %mul3A_134 = arith.constant 16 : i32
      %mul3A_135 = arith.muli %scan3A_133, %mul3A_134 : i32
      %get3A = arith.index_cast %mul3A_135 : i32 to index
      %get3A_136 = tpu.vector_load %arg8[%get3A] {strides = array<i32>} : memref<2048xi32, #tpu.memory_space<vmem>>, vector<16xi32>,
      %get3A_137 = arith.index_cast %mul3A_135 : i32 to index
      %get3A_138 = tpu.vector_load %arg9[%get3A_137] {strides = array<i32>} : memref<2048xi32, #tpu.memory_space<vmem>>, vector<16xi32>,
      %get3A_139 = arith.index_cast %mul3A_135 : i32 to index
      %get3A_140 = tpu.vector_load %arg10[%get3A_139] {strides = array<i32>} : memref<2048xi32, #tpu.memory_space<vmem>>, vector<16xi32>,
      %broadcast_in_dim3A = arith.constant 0.000000e+00 : f32
      %broadcast_in_dim3A_141 = vector.broadcast %broadcast_in_dim3A : f32 to vector<16xf32>
      %broadcast_in_dim3A_142 = arith.constant 0.000000e+00 : f32
      %broadcast_in_dim3A_143 = vector.broadcast %broadcast_in_dim3A_142 : f32 to vector<16xf32>
      %broadcast_in_dim3A_144 = arith.constant 0.000000e+00 : f32
      %broadcast_in_dim3A_145 = vector.broadcast %broadcast_in_dim3A_144 : f32 to vector<16xf32>
      %broadcast_in_dim3A_146 = arith.constant 0.000000e+00 : f32
      %broadcast_in_dim3A_147 = vector.broadcast %broadcast_in_dim3A_146 : f32 to vector<16xf32>
      %add3A_148 = arith.constant 0 : i32
      %add3A_149 = vector.broadcast %add3A_148 : i32 to vector<16xi32>
      %add3A_150 = arith.addi %get3A_136, %add3A_149 : vector<16xi32>
      %gather3A = tpu.vector_load_idx %arg11[%add3A_150] : memref<16000xf32, #tpu.memory_space<vmem>>[vector<16xi32>], vector<16xf32>,
      %add3A_151 = arith.constant 0 : i32
      %add3A_152 = vector.broadcast %add3A_151 : i32 to vector<16xi32>
      %add3A_153 = arith.addi %get3A_138, %add3A_152 : vector<16xi32>
      %gather3A_154 = tpu.vector_load_idx %arg12[%add3A_153] : memref<16000xf32, #tpu.memory_space<vmem>>[vector<16xi32>], vector<16xf32>,
      %add3A_155 = arith.constant 0 : i32
      %add3A_156 = vector.broadcast %add3A_155 : i32 to vector<16xi32>
      %add3A_157 = arith.addi %get3A_140, %add3A_156 : vector<16xi32>
      %gather3A_158 = tpu.vector_load_idx %arg11[%add3A_157] : memref<16000xf32, #tpu.memory_space<vmem>>[vector<16xi32>], vector<16xf32>,
      %add3A_159 = arith.addf %gather3A, %gather3A_154 : vector<16xf32>
      %sub3A_160 = arith.subf %add3A_159, %gather3A_158 : vector<16xf32>
      %mul3A_161 = arith.mulf %sub3A_160, %sub3A_160 : vector<16xf32>
      %add3A_162 = arith.addf %broadcast_in_dim3A_141, %mul3A_161 : vector<16xf32>
      %add3A_163 = arith.constant 1000 : i32
      %add3A_164 = vector.broadcast %add3A_163 : i32 to vector<16xi32>
      %add3A_165 = arith.addi %get3A_136, %add3A_164 : vector<16xi32>
      %gather3A_166 = tpu.vector_load_idx %arg11[%add3A_165] : memref<16000xf32, #tpu.memory_space<vmem>>[vector<16xi32>], vector<16xf32>,
      %add3A_167 = arith.constant 1000 : i32
      %add3A_168 = vector.broadcast %add3A_167 : i32 to vector<16xi32>
      %add3A_169 = arith.addi %get3A_138, %add3A_168 : vector<16xi32>
      %gather3A_170 = tpu.vector_load_idx %arg12[%add3A_169] : memref<16000xf32, #tpu.memory_space<vmem>>[vector<16xi32>], vector<16xf32>,
      %add3A_171 = arith.constant 1000 : i32
      %add3A_172 = vector.broadcast %add3A_171 : i32 to vector<16xi32>
      %add3A_173 = arith.addi %get3A_140, %add3A_172 : vector<16xi32>
      %gather3A_174 = tpu.vector_load_idx %arg11[%add3A_173] : memref<16000xf32, #tpu.memory_space<vmem>>[vector<16xi32>], vector<16xf32>,
      %add3A_175 = arith.addf %gather3A_166, %gather3A_170 : vector<16xf32>
      %sub3A_176 = arith.subf %add3A_175, %gather3A_174 : vector<16xf32>
      %mul3A_177 = arith.mulf %sub3A_176, %sub3A_176 : vector<16xf32>
      %add3A_178 = arith.addf %broadcast_in_dim3A_143, %mul3A_177 : vector<16xf32>
      %add3A_179 = arith.constant 2000 : i32
      %add3A_180 = vector.broadcast %add3A_179 : i32 to vector<16xi32>
      %add3A_181 = arith.addi %get3A_136, %add3A_180 : vector<16xi32>
      %gather3A_182 = tpu.vector_load_idx %arg11[%add3A_181] : memref<16000xf32, #tpu.memory_space<vmem>>[vector<16xi32>], vector<16xf32>,
      %add3A_183 = arith.constant 2000 : i32
      %add3A_184 = vector.broadcast %add3A_183 : i32 to vector<16xi32>
      %add3A_185 = arith.addi %get3A_138, %add3A_184 : vector<16xi32>
      %gather3A_186 = tpu.vector_load_idx %arg12[%add3A_185] : memref<16000xf32, #tpu.memory_space<vmem>>[vector<16xi32>], vector<16xf32>,
      %add3A_187 = arith.constant 2000 : i32
      %add3A_188 = vector.broadcast %add3A_187 : i32 to vector<16xi32>
      %add3A_189 = arith.addi %get3A_140, %add3A_188 : vector<16xi32>
      %gather3A_190 = tpu.vector_load_idx %arg11[%add3A_189] : memref<16000xf32, #tpu.memory_space<vmem>>[vector<16xi32>], vector<16xf32>,
      %add3A_191 = arith.addf %gather3A_182, %gather3A_186 : vector<16xf32>
      %sub3A_192 = arith.subf %add3A_191, %gather3A_190 : vector<16xf32>
      %mul3A_193 = arith.mulf %sub3A_192, %sub3A_192 : vector<16xf32>
      %add3A_194 = arith.addf %broadcast_in_dim3A_145, %mul3A_193 : vector<16xf32>
      %add3A_195 = arith.constant 3000 : i32
      %add3A_196 = vector.broadcast %add3A_195 : i32 to vector<16xi32>
      %add3A_197 = arith.addi %get3A_136, %add3A_196 : vector<16xi32>
      %gather3A_198 = tpu.vector_load_idx %arg11[%add3A_197] : memref<16000xf32, #tpu.memory_space<vmem>>[vector<16xi32>], vector<16xf32>,
      %add3A_199 = arith.constant 3000 : i32
      %add3A_200 = vector.broadcast %add3A_199 : i32 to vector<16xi32>
      %add3A_201 = arith.addi %get3A_138, %add3A_200 : vector<16xi32>
      %gather3A_202 = tpu.vector_load_idx %arg12[%add3A_201] : memref<16000xf32, #tpu.memory_space<vmem>>[vector<16xi32>], vector<16xf32>,
      %add3A_203 = arith.constant 3000 : i32
      %add3A_204 = vector.broadcast %add3A_203 : i32 to vector<16xi32>
      %add3A_205 = arith.addi %get3A_140, %add3A_204 : vector<16xi32>
      %gather3A_206 = tpu.vector_load_idx %arg11[%add3A_205] : memref<16000xf32, #tpu.memory_space<vmem>>[vector<16xi32>], vector<16xf32>,
      %add3A_207 = arith.addf %gather3A_198, %gather3A_202 : vector<16xf32>
      %sub3A_208 = arith.subf %add3A_207, %gather3A_206 : vector<16xf32>
      %mul3A_209 = arith.mulf %sub3A_208, %sub3A_208 : vector<16xf32>
      %add3A_210 = arith.addf %broadcast_in_dim3A_147, %mul3A_209 : vector<16xf32>
      %add3A_211 = arith.constant 4000 : i32
      %add3A_212 = vector.broadcast %add3A_211 : i32 to vector<16xi32>
      %add3A_213 = arith.addi %get3A_136, %add3A_212 : vector<16xi32>
      %gather3A_214 = tpu.vector_load_idx %arg11[%add3A_213] : memref<16000xf32, #tpu.memory_space<vmem>>[vector<16xi32>], vector<16xf32>,
      %add3A_215 = arith.constant 4000 : i32
      %add3A_216 = vector.broadcast %add3A_215 : i32 to vector<16xi32>
      %add3A_217 = arith.addi %get3A_138, %add3A_216 : vector<16xi32>
      %gather3A_218 = tpu.vector_load_idx %arg12[%add3A_217] : memref<16000xf32, #tpu.memory_space<vmem>>[vector<16xi32>], vector<16xf32>,
      %add3A_219 = arith.constant 4000 : i32
      %add3A_220 = vector.broadcast %add3A_219 : i32 to vector<16xi32>
      %add3A_221 = arith.addi %get3A_140, %add3A_220 : vector<16xi32>
      %gather3A_222 = tpu.vector_load_idx %arg11[%add3A_221] : memref<16000xf32, #tpu.memory_space<vmem>>[vector<16xi32>], vector<16xf32>,
      %add3A_223 = arith.addf %gather3A_214, %gather3A_218 : vector<16xf32>
      %sub3A_224 = arith.subf %add3A_223, %gather3A_222 : vector<16xf32>
      %mul3A_225 = arith.mulf %sub3A_224, %sub3A_224 : vector<16xf32>
      %add3A_226 = arith.addf %add3A_162, %mul3A_225 : vector<16xf32>
      %add3A_227 = arith.constant 5000 : i32
      %add3A_228 = vector.broadcast %add3A_227 : i32 to vector<16xi32>
      %add3A_229 = arith.addi %get3A_136, %add3A_228 : vector<16xi32>
      %gather3A_230 = tpu.vector_load_idx %arg11[%add3A_229] : memref<16000xf32, #tpu.memory_space<vmem>>[vector<16xi32>], vector<16xf32>,
      %add3A_231 = arith.constant 5000 : i32
      %add3A_232 = vector.broadcast %add3A_231 : i32 to vector<16xi32>
      %add3A_233 = arith.addi %get3A_138, %add3A_232 : vector<16xi32>
      %gather3A_234 = tpu.vector_load_idx %arg12[%add3A_233] : memref<16000xf32, #tpu.memory_space<vmem>>[vector<16xi32>], vector<16xf32>,
      %add3A_235 = arith.constant 5000 : i32
      %add3A_236 = vector.broadcast %add3A_235 : i32 to vector<16xi32>
      %add3A_237 = arith.addi %get3A_140, %add3A_236 : vector<16xi32>
      %gather3A_238 = tpu.vector_load_idx %arg11[%add3A_237] : memref<16000xf32, #tpu.memory_space<vmem>>[vector<16xi32>], vector<16xf32>,
      %add3A_239 = arith.addf %gather3A_230, %gather3A_234 : vector<16xf32>
      %sub3A_240 = arith.subf %add3A_239, %gather3A_238 : vector<16xf32>
      %mul3A_241 = arith.mulf %sub3A_240, %sub3A_240 : vector<16xf32>
      %add3A_242 = arith.addf %add3A_178, %mul3A_241 : vector<16xf32>
      %add3A_243 = arith.constant 6000 : i32
      %add3A_244 = vector.broadcast %add3A_243 : i32 to vector<16xi32>
      %add3A_245 = arith.addi %get3A_136, %add3A_244 : vector<16xi32>
      %gather3A_246 = tpu.vector_load_idx %arg11[%add3A_245] : memref<16000xf32, #tpu.memory_space<vmem>>[vector<16xi32>], vector<16xf32>,
      %add3A_247 = arith.constant 6000 : i32
      %add3A_248 = vector.broadcast %add3A_247 : i32 to vector<16xi32>
      %add3A_249 = arith.addi %get3A_138, %add3A_248 : vector<16xi32>
      %gather3A_250 = tpu.vector_load_idx %arg12[%add3A_249] : memref<16000xf32, #tpu.memory_space<vmem>>[vector<16xi32>], vector<16xf32>,
      %add3A_251 = arith.constant 6000 : i32
      %add3A_252 = vector.broadcast %add3A_251 : i32 to vector<16xi32>
      %add3A_253 = arith.addi %get3A_140, %add3A_252 : vector<16xi32>
      %gather3A_254 = tpu.vector_load_idx %arg11[%add3A_253] : memref<16000xf32, #tpu.memory_space<vmem>>[vector<16xi32>], vector<16xf32>,
      %add3A_255 = arith.addf %gather3A_246, %gather3A_250 : vector<16xf32>
      %sub3A_256 = arith.subf %add3A_255, %gather3A_254 : vector<16xf32>
      %mul3A_257 = arith.mulf %sub3A_256, %sub3A_256 : vector<16xf32>
      %add3A_258 = arith.addf %add3A_194, %mul3A_257 : vector<16xf32>
      %add3A_259 = arith.constant 7000 : i32
      %add3A_260 = vector.broadcast %add3A_259 : i32 to vector<16xi32>
      %add3A_261 = arith.addi %get3A_136, %add3A_260 : vector<16xi32>
      %gather3A_262 = tpu.vector_load_idx %arg11[%add3A_261] : memref<16000xf32, #tpu.memory_space<vmem>>[vector<16xi32>], vector<16xf32>,
      %add3A_263 = arith.constant 7000 : i32
      %add3A_264 = vector.broadcast %add3A_263 : i32 to vector<16xi32>
      %add3A_265 = arith.addi %get3A_138, %add3A_264 : vector<16xi32>
      %gather3A_266 = tpu.vector_load_idx %arg12[%add3A_265] : memref<16000xf32, #tpu.memory_space<vmem>>[vector<16xi32>], vector<16xf32>,
      %add3A_267 = arith.constant 7000 : i32
      %add3A_268 = vector.broadcast %add3A_267 : i32 to vector<16xi32>
      %add3A_269 = arith.addi %get3A_140, %add3A_268 : vector<16xi32>
      %gather3A_270 = tpu.vector_load_idx %arg11[%add3A_269] : memref<16000xf32, #tpu.memory_space<vmem>>[vector<16xi32>], vector<16xf32>,
      %add3A_271 = arith.addf %gather3A_262, %gather3A_266 : vector<16xf32>
      %sub3A_272 = arith.subf %add3A_271, %gather3A_270 : vector<16xf32>
      %mul3A_273 = arith.mulf %sub3A_272, %sub3A_272 : vector<16xf32>
      %add3A_274 = arith.addf %add3A_210, %mul3A_273 : vector<16xf32>
      %add3A_275 = arith.constant 8000 : i32
      %add3A_276 = vector.broadcast %add3A_275 : i32 to vector<16xi32>
      %add3A_277 = arith.addi %get3A_136, %add3A_276 : vector<16xi32>
      %gather3A_278 = tpu.vector_load_idx %arg11[%add3A_277] : memref<16000xf32, #tpu.memory_space<vmem>>[vector<16xi32>], vector<16xf32>,
      %add3A_279 = arith.constant 8000 : i32
      %add3A_280 = vector.broadcast %add3A_279 : i32 to vector<16xi32>
      %add3A_281 = arith.addi %get3A_138, %add3A_280 : vector<16xi32>
      %gather3A_282 = tpu.vector_load_idx %arg12[%add3A_281] : memref<16000xf32, #tpu.memory_space<vmem>>[vector<16xi32>], vector<16xf32>,
      %add3A_283 = arith.constant 8000 : i32
      %add3A_284 = vector.broadcast %add3A_283 : i32 to vector<16xi32>
      %add3A_285 = arith.addi %get3A_140, %add3A_284 : vector<16xi32>
      %gather3A_286 = tpu.vector_load_idx %arg11[%add3A_285] : memref<16000xf32, #tpu.memory_space<vmem>>[vector<16xi32>], vector<16xf32>,
      %add3A_287 = arith.addf %gather3A_278, %gather3A_282 : vector<16xf32>
      %sub3A_288 = arith.subf %add3A_287, %gather3A_286 : vector<16xf32>
      %mul3A_289 = arith.mulf %sub3A_288, %sub3A_288 : vector<16xf32>
      %add3A_290 = arith.addf %add3A_226, %mul3A_289 : vector<16xf32>
      %add3A_291 = arith.constant 9000 : i32
      %add3A_292 = vector.broadcast %add3A_291 : i32 to vector<16xi32>
      %add3A_293 = arith.addi %get3A_136, %add3A_292 : vector<16xi32>
      %gather3A_294 = tpu.vector_load_idx %arg11[%add3A_293] : memref<16000xf32, #tpu.memory_space<vmem>>[vector<16xi32>], vector<16xf32>,
      %add3A_295 = arith.constant 9000 : i32
      %add3A_296 = vector.broadcast %add3A_295 : i32 to vector<16xi32>
      %add3A_297 = arith.addi %get3A_138, %add3A_296 : vector<16xi32>
      %gather3A_298 = tpu.vector_load_idx %arg12[%add3A_297] : memref<16000xf32, #tpu.memory_space<vmem>>[vector<16xi32>], vector<16xf32>,
      %add3A_299 = arith.constant 9000 : i32
      %add3A_300 = vector.broadcast %add3A_299 : i32 to vector<16xi32>
      %add3A_301 = arith.addi %get3A_140, %add3A_300 : vector<16xi32>
      %gather3A_302 = tpu.vector_load_idx %arg11[%add3A_301] : memref<16000xf32, #tpu.memory_space<vmem>>[vector<16xi32>], vector<16xf32>,
      %add3A_303 = arith.addf %gather3A_294, %gather3A_298 : vector<16xf32>
      %sub3A_304 = arith.subf %add3A_303, %gather3A_302 : vector<16xf32>
      %mul3A_305 = arith.mulf %sub3A_304, %sub3A_304 : vector<16xf32>
      %add3A_306 = arith.addf %add3A_242, %mul3A_305 : vector<16xf32>
      %add3A_307 = arith.constant 10000 : i32
      %add3A_308 = vector.broadcast %add3A_307 : i32 to vector<16xi32>
      %add3A_309 = arith.addi %get3A_136, %add3A_308 : vector<16xi32>
      %gather3A_310 = tpu.vector_load_idx %arg11[%add3A_309] : memref<16000xf32, #tpu.memory_space<vmem>>[vector<16xi32>], vector<16xf32>,
      %add3A_311 = arith.constant 10000 : i32
      %add3A_312 = vector.broadcast %add3A_311 : i32 to vector<16xi32>
      %add3A_313 = arith.addi %get3A_138, %add3A_312 : vector<16xi32>
      %gather3A_314 = tpu.vector_load_idx %arg12[%add3A_313] : memref<16000xf32, #tpu.memory_space<vmem>>[vector<16xi32>], vector<16xf32>,
      %add3A_315 = arith.constant 10000 : i32
      %add3A_316 = vector.broadcast %add3A_315 : i32 to vector<16xi32>
      %add3A_317 = arith.addi %get3A_140, %add3A_316 : vector<16xi32>
      %gather3A_318 = tpu.vector_load_idx %arg11[%add3A_317] : memref<16000xf32, #tpu.memory_space<vmem>>[vector<16xi32>], vector<16xf32>,
      %add3A_319 = arith.addf %gather3A_310, %gather3A_314 : vector<16xf32>
      %sub3A_320 = arith.subf %add3A_319, %gather3A_318 : vector<16xf32>
      %mul3A_321 = arith.mulf %sub3A_320, %sub3A_320 : vector<16xf32>
      %add3A_322 = arith.addf %add3A_258, %mul3A_321 : vector<16xf32>
      %add3A_323 = arith.constant 11000 : i32
      %add3A_324 = vector.broadcast %add3A_323 : i32 to vector<16xi32>
      %add3A_325 = arith.addi %get3A_136, %add3A_324 : vector<16xi32>
      %gather3A_326 = tpu.vector_load_idx %arg11[%add3A_325] : memref<16000xf32, #tpu.memory_space<vmem>>[vector<16xi32>], vector<16xf32>,
      %add3A_327 = arith.constant 11000 : i32
      %add3A_328 = vector.broadcast %add3A_327 : i32 to vector<16xi32>
      %add3A_329 = arith.addi %get3A_138, %add3A_328 : vector<16xi32>
      %gather3A_330 = tpu.vector_load_idx %arg12[%add3A_329] : memref<16000xf32, #tpu.memory_space<vmem>>[vector<16xi32>], vector<16xf32>,
      %add3A_331 = arith.constant 11000 : i32
      %add3A_332 = vector.broadcast %add3A_331 : i32 to vector<16xi32>
      %add3A_333 = arith.addi %get3A_140, %add3A_332 : vector<16xi32>
      %gather3A_334 = tpu.vector_load_idx %arg11[%add3A_333] : memref<16000xf32, #tpu.memory_space<vmem>>[vector<16xi32>], vector<16xf32>,
      %add3A_335 = arith.addf %gather3A_326, %gather3A_330 : vector<16xf32>
      %sub3A_336 = arith.subf %add3A_335, %gather3A_334 : vector<16xf32>
      %mul3A_337 = arith.mulf %sub3A_336, %sub3A_336 : vector<16xf32>
      %add3A_338 = arith.addf %add3A_274, %mul3A_337 : vector<16xf32>
      %add3A_339 = arith.constant 12000 : i32
      %add3A_340 = vector.broadcast %add3A_339 : i32 to vector<16xi32>
      %add3A_341 = arith.addi %get3A_136, %add3A_340 : vector<16xi32>
      %gather3A_342 = tpu.vector_load_idx %arg11[%add3A_341] : memref<16000xf32, #tpu.memory_space<vmem>>[vector<16xi32>], vector<16xf32>,
      %add3A_343 = arith.constant 12000 : i32
      %add3A_344 = vector.broadcast %add3A_343 : i32 to vector<16xi32>
      %add3A_345 = arith.addi %get3A_138, %add3A_344 : vector<16xi32>
      %gather3A_346 = tpu.vector_load_idx %arg12[%add3A_345] : memref<16000xf32, #tpu.memory_space<vmem>>[vector<16xi32>], vector<16xf32>,
      %add3A_347 = arith.constant 12000 : i32
      %add3A_348 = vector.broadcast %add3A_347 : i32 to vector<16xi32>
      %add3A_349 = arith.addi %get3A_140, %add3A_348 : vector<16xi32>
      %gather3A_350 = tpu.vector_load_idx %arg11[%add3A_349] : memref<16000xf32, #tpu.memory_space<vmem>>[vector<16xi32>], vector<16xf32>,
      %add3A_351 = arith.addf %gather3A_342, %gather3A_346 : vector<16xf32>
      %sub3A_352 = arith.subf %add3A_351, %gather3A_350 : vector<16xf32>
      %mul3A_353 = arith.mulf %sub3A_352, %sub3A_352 : vector<16xf32>
      %add3A_354 = arith.addf %add3A_290, %mul3A_353 : vector<16xf32>
      %add3A_355 = arith.constant 13000 : i32
      %add3A_356 = vector.broadcast %add3A_355 : i32 to vector<16xi32>
      %add3A_357 = arith.addi %get3A_136, %add3A_356 : vector<16xi32>
      %gather3A_358 = tpu.vector_load_idx %arg11[%add3A_357] : memref<16000xf32, #tpu.memory_space<vmem>>[vector<16xi32>], vector<16xf32>,
      %add3A_359 = arith.constant 13000 : i32
      %add3A_360 = vector.broadcast %add3A_359 : i32 to vector<16xi32>
      %add3A_361 = arith.addi %get3A_138, %add3A_360 : vector<16xi32>
      %gather3A_362 = tpu.vector_load_idx %arg12[%add3A_361] : memref<16000xf32, #tpu.memory_space<vmem>>[vector<16xi32>], vector<16xf32>,
      %add3A_363 = arith.constant 13000 : i32
      %add3A_364 = vector.broadcast %add3A_363 : i32 to vector<16xi32>
      %add3A_365 = arith.addi %get3A_140, %add3A_364 : vector<16xi32>
      %gather3A_366 = tpu.vector_load_idx %arg11[%add3A_365] : memref<16000xf32, #tpu.memory_space<vmem>>[vector<16xi32>], vector<16xf32>,
      %add3A_367 = arith.addf %gather3A_358, %gather3A_362 : vector<16xf32>
      %sub3A_368 = arith.subf %add3A_367, %gather3A_366 : vector<16xf32>
      %mul3A_369 = arith.mulf %sub3A_368, %sub3A_368 : vector<16xf32>
      %add3A_370 = arith.addf %add3A_306, %mul3A_369 : vector<16xf32>
      %add3A_371 = arith.constant 14000 : i32
      %add3A_372 = vector.broadcast %add3A_371 : i32 to vector<16xi32>
      %add3A_373 = arith.addi %get3A_136, %add3A_372 : vector<16xi32>
      %gather3A_374 = tpu.vector_load_idx %arg11[%add3A_373] : memref<16000xf32, #tpu.memory_space<vmem>>[vector<16xi32>], vector<16xf32>,
      %add3A_375 = arith.constant 14000 : i32
      %add3A_376 = vector.broadcast %add3A_375 : i32 to vector<16xi32>
      %add3A_377 = arith.addi %get3A_138, %add3A_376 : vector<16xi32>
      %gather3A_378 = tpu.vector_load_idx %arg12[%add3A_377] : memref<16000xf32, #tpu.memory_space<vmem>>[vector<16xi32>], vector<16xf32>,
      %add3A_379 = arith.constant 14000 : i32
      %add3A_380 = vector.broadcast %add3A_379 : i32 to vector<16xi32>
      %add3A_381 = arith.addi %get3A_140, %add3A_380 : vector<16xi32>
      %gather3A_382 = tpu.vector_load_idx %arg11[%add3A_381] : memref<16000xf32, #tpu.memory_space<vmem>>[vector<16xi32>], vector<16xf32>,
      %add3A_383 = arith.addf %gather3A_374, %gather3A_378 : vector<16xf32>
      %sub3A_384 = arith.subf %add3A_383, %gather3A_382 : vector<16xf32>
      %mul3A_385 = arith.mulf %sub3A_384, %sub3A_384 : vector<16xf32>
      %add3A_386 = arith.addf %add3A_322, %mul3A_385 : vector<16xf32>
      %add3A_387 = arith.constant 15000 : i32
      %add3A_388 = vector.broadcast %add3A_387 : i32 to vector<16xi32>
      %add3A_389 = arith.addi %get3A_136, %add3A_388 : vector<16xi32>
      %gather3A_390 = tpu.vector_load_idx %arg11[%add3A_389] : memref<16000xf32, #tpu.memory_space<vmem>>[vector<16xi32>], vector<16xf32>,
      %add3A_391 = arith.constant 15000 : i32
      %add3A_392 = vector.broadcast %add3A_391 : i32 to vector<16xi32>
      %add3A_393 = arith.addi %get3A_138, %add3A_392 : vector<16xi32>
      %gather3A_394 = tpu.vector_load_idx %arg12[%add3A_393] : memref<16000xf32, #tpu.memory_space<vmem>>[vector<16xi32>], vector<16xf32>,
      %add3A_395 = arith.constant 15000 : i32
      %add3A_396 = vector.broadcast %add3A_395 : i32 to vector<16xi32>
      %add3A_397 = arith.addi %get3A_140, %add3A_396 : vector<16xi32>
      %gather3A_398 = tpu.vector_load_idx %arg11[%add3A_397] : memref<16000xf32, #tpu.memory_space<vmem>>[vector<16xi32>], vector<16xf32>,
      %add3A_399 = arith.addf %gather3A_390, %gather3A_394 : vector<16xf32>
      %sub3A_400 = arith.subf %add3A_399, %gather3A_398 : vector<16xf32>
      %mul3A_401 = arith.mulf %sub3A_400, %sub3A_400 : vector<16xf32>
      %add3A_402 = arith.addf %add3A_338, %mul3A_401 : vector<16xf32>
      %add3A_403 = arith.addf %add3A_354, %add3A_370 : vector<16xf32>
      %add3A_404 = arith.addf %add3A_386, %add3A_402 : vector<16xf32>
      %add3A_405 = arith.addf %add3A_403, %add3A_404 : vector<16xf32>
      %mul3A_406 = arith.constant 16 : i32
      %mul3A_407 = arith.muli %scan3A_133, %mul3A_406 : i32
      %add3A_408 = vector.broadcast %mul3A_407 : i32 to vector<16xi32>
      %add3A_409 = arith.addi %add3A_408, %iota3A : vector<16xi32>
      tpu.vector_store_idx %arg13[%add3A_409], %add3A_405 : memref<2048xf32, #tpu.memory_space<vmem>>[vector<16xi32>], vector<16xf32>,
    }
    %scan3A_51 = arith.constant 128 : i32
    %mul3A_52 = arith.constant 2048 : i32
    %mul3A_53 = arith.muli %arg1, %mul3A_52 : i32
    "tpu.region"() ({
      %run_scoped3A = tpu.sem_alloc : memref<!tpu.dma_semaphore, #tpu.memory_space<semaphore_mem>>
      %dma_start3A_133 = tpu.memref_slice %arg14[%mul3A_53] : memref<32768xf32, #tpu.memory_space<vmem_shared>> -> memref<2048xf32, #tpu.memory_space<vmem_shared>>
      %dma_start3A_134 = tpu.memref_slice %arg14[%mul3A_53] : memref<32768xf32, #tpu.memory_space<vmem_shared>> -> memref<2048xf32, #tpu.memory_space<vmem_shared>>
      tpu.enqueue_dma source(%arg13 : memref<2048xf32, #tpu.memory_space<vmem>>) target(%dma_start3A_134 : memref<2048xf32, #tpu.memory_space<vmem_shared>>) target_semaphore(%run_scoped3A : memref<!tpu.dma_semaphore, #tpu.memory_space<semaphore_mem>>)
      %dma_wait3A_135 = tpu.memref_slice %arg14[%mul3A_53] : memref<32768xf32, #tpu.memory_space<vmem_shared>> -> memref<2048xf32, #tpu.memory_space<vmem_shared>>
      %dma_wait3A_136 = tpu.memref_slice %arg14[%mul3A_53] : memref<32768xf32, #tpu.memory_space<vmem_shared>> -> memref<2048xf32, #tpu.memory_space<vmem_shared>>
      tpu.wait_dma2 semaphore(%run_scoped3A : memref<!tpu.dma_semaphore, #tpu.memory_space<semaphore_mem>>) src(%arg13 : memref<2048xf32, #tpu.memory_space<vmem>>) dst(%dma_wait3A_136 : memref<2048xf32, #tpu.memory_space<vmem_shared>>)
      tpu.yield
    }) : () -> ()
    %barrier3A = arith.constant 0 : index
    tpu.barrier barrier_id(%barrier3A)
    %jit3A_54 = arith.constant 4 : i32
    %div3A_55 = arith.divsi %arg1, %jit3A_54 : i32
    %sign3A_56 = arith.constant 0 : i32
    %sign3A_57 = arith.cmpi sgt, %arg1, %sign3A_56 : i32
    %sign3A_58 = arith.extui %sign3A_57 : i1 to i32
    %sign3A_59 = arith.constant 0 : i32
    %sign3A_60 = arith.cmpi slt, %arg1, %sign3A_59 : i32
    %sign3A_61 = arith.extui %sign3A_60 : i1 to i32
    %sign3A_62 = arith.subi %sign3A_58, %sign3A_61 : i32
    %sign3A_63 = arith.constant 0 : i32
    %sign3A_64 = arith.cmpi sgt, %jit3A_54, %sign3A_63 : i32
    %sign3A_65 = arith.extui %sign3A_64 : i1 to i32
    %sign3A_66 = arith.constant 0 : i32
    %sign3A_67 = arith.cmpi slt, %jit3A_54, %sign3A_66 : i32
    %sign3A_68 = arith.extui %sign3A_67 : i1 to i32
    %sign3A_69 = arith.subi %sign3A_65, %sign3A_68 : i32
    %ne3A_70 = arith.cmpi ne, %sign3A_62, %sign3A_69 : i32
    %rem3A_71 = arith.remsi %arg1, %jit3A_54 : i32
    %ne3A_72 = arith.constant 0 : i32
    %ne3A_73 = arith.cmpi ne, %rem3A_71, %ne3A_72 : i32
    %and3A_74 = arith.andi %ne3A_70, %ne3A_73 : i1
    %sub3A_75 = arith.constant 1 : i32
    %sub3A_76 = arith.subi %div3A_55, %sub3A_75 : i32
    %select_n3A_77 = arith.select %and3A_74, %sub3A_76, %div3A_55 : i32
    %jit3A_78 = arith.constant 4 : i32
    %eq3A_79 = arith.constant 0 : i32
    %eq3A_80 = arith.cmpi eq, %jit3A_78, %eq3A_79 : i32
    %jit3A_81 = arith.constant 1 : i32
    %select_n3A_82 = arith.select %eq3A_80, %jit3A_81, %jit3A_78 : i32
    %rem3A_83 = arith.remsi %arg1, %select_n3A_82 : i32
    %ne3A_84 = arith.constant 0 : i32
    %ne3A_85 = arith.cmpi ne, %rem3A_83, %ne3A_84 : i32
    %lt3A_86 = arith.constant 0 : i32
    %lt3A_87 = arith.cmpi slt, %rem3A_83, %lt3A_86 : i32
    %lt3A_88 = arith.constant 0 : i32
    %lt3A_89 = arith.cmpi slt, %select_n3A_82, %lt3A_88 : i32
    %ne3A_90 = arith.xori %lt3A_87, %lt3A_89 : i1
    %and3A_91 = arith.andi %ne3A_90, %ne3A_85 : i1
    %add3A_92 = arith.addi %rem3A_83, %select_n3A_82 : i32
    %select_n3A_93 = arith.select %and3A_91, %add3A_92, %rem3A_83 : i32
    %mul3A_94 = arith.constant 8192 : i32
    %mul3A_95 = arith.muli %arg0, %mul3A_94 : i32
    %mul3A_96 = arith.constant 512 : i32
    %mul3A_97 = arith.muli %arg1, %mul3A_96 : i32
    %add3A_98 = arith.addi %mul3A_95, %mul3A_97 : i32
    %add3A_99 = arith.constant 0 : i32
    %add3A_100 = arith.addi %add3A_99, %select_n3A_77 : i32
    %mul3A_101 = arith.constant 2048 : i32
    %mul3A_102 = arith.muli %add3A_100, %mul3A_101 : i32
    %mul3A_103 = arith.constant 512 : i32
    %mul3A_104 = arith.muli %select_n3A_93, %mul3A_103 : i32
    %add3A_105 = arith.addi %mul3A_102, %mul3A_104 : i32
    "tpu.region"() ({
      %run_scoped3A = tpu.sem_alloc : memref<!tpu.dma_semaphore, #tpu.memory_space<semaphore_mem>>
      %dma_start3A_133 = arith.constant 0 : i32
      %dma_start3A_134 = tpu.memref_slice %arg13[%dma_start3A_133] : memref<2048xf32, #tpu.memory_space<vmem>> -> memref<512xf32, #tpu.memory_space<vmem>>
      %dma_start3A_135 = tpu.memref_slice %arg14[%add3A_105] : memref<32768xf32, #tpu.memory_space<vmem_shared>> -> memref<512xf32, #tpu.memory_space<vmem_shared>>
      %dma_start3A_136 = arith.constant 0 : i32
      %dma_start3A_137 = tpu.memref_slice %arg13[%dma_start3A_136] : memref<2048xf32, #tpu.memory_space<vmem>> -> memref<512xf32, #tpu.memory_space<vmem>>
      %dma_start3A_138 = tpu.memref_slice %arg14[%add3A_105] : memref<32768xf32, #tpu.memory_space<vmem_shared>> -> memref<512xf32, #tpu.memory_space<vmem_shared>>
      tpu.enqueue_dma source(%dma_start3A_138 : memref<512xf32, #tpu.memory_space<vmem_shared>>) target(%dma_start3A_137 : memref<512xf32, #tpu.memory_space<vmem>>) target_semaphore(%run_scoped3A : memref<!tpu.dma_semaphore, #tpu.memory_space<semaphore_mem>>)
      %dma_wait3A_139 = arith.constant 0 : i32
      %dma_wait3A_140 = tpu.memref_slice %arg13[%dma_wait3A_139] : memref<2048xf32, #tpu.memory_space<vmem>> -> memref<512xf32, #tpu.memory_space<vmem>>
      %dma_wait3A_141 = tpu.memref_slice %arg14[%add3A_105] : memref<32768xf32, #tpu.memory_space<vmem_shared>> -> memref<512xf32, #tpu.memory_space<vmem_shared>>
      %dma_wait3A_142 = arith.constant 0 : i32
      %dma_wait3A_143 = tpu.memref_slice %arg13[%dma_wait3A_142] : memref<2048xf32, #tpu.memory_space<vmem>> -> memref<512xf32, #tpu.memory_space<vmem>>
      %dma_wait3A_144 = tpu.memref_slice %arg14[%add3A_105] : memref<32768xf32, #tpu.memory_space<vmem_shared>> -> memref<512xf32, #tpu.memory_space<vmem_shared>>
      tpu.wait_dma2 semaphore(%run_scoped3A : memref<!tpu.dma_semaphore, #tpu.memory_space<semaphore_mem>>) src(%dma_wait3A_144 : memref<512xf32, #tpu.memory_space<vmem_shared>>) dst(%dma_wait3A_143 : memref<512xf32, #tpu.memory_space<vmem>>)
      tpu.yield
    }) : () -> ()
    %add3A_106 = arith.constant 4 : i32
    %add3A_107 = arith.addi %add3A_106, %select_n3A_77 : i32
    %mul3A_108 = arith.constant 2048 : i32
    %mul3A_109 = arith.muli %add3A_107, %mul3A_108 : i32
    %mul3A_110 = arith.constant 512 : i32
    %mul3A_111 = arith.muli %select_n3A_93, %mul3A_110 : i32
    %add3A_112 = arith.addi %mul3A_109, %mul3A_111 : i32
    "tpu.region"() ({
      %run_scoped3A = tpu.sem_alloc : memref<!tpu.dma_semaphore, #tpu.memory_space<semaphore_mem>>
      %dma_start3A_133 = arith.constant 512 : i32
      %dma_start3A_134 = tpu.memref_slice %arg13[%dma_start3A_133] : memref<2048xf32, #tpu.memory_space<vmem>> -> memref<512xf32, #tpu.memory_space<vmem>>
      %dma_start3A_135 = tpu.memref_slice %arg14[%add3A_112] : memref<32768xf32, #tpu.memory_space<vmem_shared>> -> memref<512xf32, #tpu.memory_space<vmem_shared>>
      %dma_start3A_136 = arith.constant 512 : i32
      %dma_start3A_137 = tpu.memref_slice %arg13[%dma_start3A_136] : memref<2048xf32, #tpu.memory_space<vmem>> -> memref<512xf32, #tpu.memory_space<vmem>>
      %dma_start3A_138 = tpu.memref_slice %arg14[%add3A_112] : memref<32768xf32, #tpu.memory_space<vmem_shared>> -> memref<512xf32, #tpu.memory_space<vmem_shared>>
      tpu.enqueue_dma source(%dma_start3A_138 : memref<512xf32, #tpu.memory_space<vmem_shared>>) target(%dma_start3A_137 : memref<512xf32, #tpu.memory_space<vmem>>) target_semaphore(%run_scoped3A : memref<!tpu.dma_semaphore, #tpu.memory_space<semaphore_mem>>)
      %dma_wait3A_139 = arith.constant 512 : i32
      %dma_wait3A_140 = tpu.memref_slice %arg13[%dma_wait3A_139] : memref<2048xf32, #tpu.memory_space<vmem>> -> memref<512xf32, #tpu.memory_space<vmem>>
      %dma_wait3A_141 = tpu.memref_slice %arg14[%add3A_112] : memref<32768xf32, #tpu.memory_space<vmem_shared>> -> memref<512xf32, #tpu.memory_space<vmem_shared>>
      %dma_wait3A_142 = arith.constant 512 : i32
      %dma_wait3A_143 = tpu.memref_slice %arg13[%dma_wait3A_142] : memref<2048xf32, #tpu.memory_space<vmem>> -> memref<512xf32, #tpu.memory_space<vmem>>
      %dma_wait3A_144 = tpu.memref_slice %arg14[%add3A_112] : memref<32768xf32, #tpu.memory_space<vmem_shared>> -> memref<512xf32, #tpu.memory_space<vmem_shared>>
      tpu.wait_dma2 semaphore(%run_scoped3A : memref<!tpu.dma_semaphore, #tpu.memory_space<semaphore_mem>>) src(%dma_wait3A_144 : memref<512xf32, #tpu.memory_space<vmem_shared>>) dst(%dma_wait3A_143 : memref<512xf32, #tpu.memory_space<vmem>>)
      tpu.yield
    }) : () -> ()
    %add3A_113 = arith.constant 8 : i32
    %add3A_114 = arith.addi %add3A_113, %select_n3A_77 : i32
    %mul3A_115 = arith.constant 2048 : i32
    %mul3A_116 = arith.muli %add3A_114, %mul3A_115 : i32
    %mul3A_117 = arith.constant 512 : i32
    %mul3A_118 = arith.muli %select_n3A_93, %mul3A_117 : i32
    %add3A_119 = arith.addi %mul3A_116, %mul3A_118 : i32
    "tpu.region"() ({
      %run_scoped3A = tpu.sem_alloc : memref<!tpu.dma_semaphore, #tpu.memory_space<semaphore_mem>>
      %dma_start3A_133 = arith.constant 1024 : i32
      %dma_start3A_134 = tpu.memref_slice %arg13[%dma_start3A_133] : memref<2048xf32, #tpu.memory_space<vmem>> -> memref<512xf32, #tpu.memory_space<vmem>>
      %dma_start3A_135 = tpu.memref_slice %arg14[%add3A_119] : memref<32768xf32, #tpu.memory_space<vmem_shared>> -> memref<512xf32, #tpu.memory_space<vmem_shared>>
      %dma_start3A_136 = arith.constant 1024 : i32
      %dma_start3A_137 = tpu.memref_slice %arg13[%dma_start3A_136] : memref<2048xf32, #tpu.memory_space<vmem>> -> memref<512xf32, #tpu.memory_space<vmem>>
      %dma_start3A_138 = tpu.memref_slice %arg14[%add3A_119] : memref<32768xf32, #tpu.memory_space<vmem_shared>> -> memref<512xf32, #tpu.memory_space<vmem_shared>>
      tpu.enqueue_dma source(%dma_start3A_138 : memref<512xf32, #tpu.memory_space<vmem_shared>>) target(%dma_start3A_137 : memref<512xf32, #tpu.memory_space<vmem>>) target_semaphore(%run_scoped3A : memref<!tpu.dma_semaphore, #tpu.memory_space<semaphore_mem>>)
      %dma_wait3A_139 = arith.constant 1024 : i32
      %dma_wait3A_140 = tpu.memref_slice %arg13[%dma_wait3A_139] : memref<2048xf32, #tpu.memory_space<vmem>> -> memref<512xf32, #tpu.memory_space<vmem>>
      %dma_wait3A_141 = tpu.memref_slice %arg14[%add3A_119] : memref<32768xf32, #tpu.memory_space<vmem_shared>> -> memref<512xf32, #tpu.memory_space<vmem_shared>>
      %dma_wait3A_142 = arith.constant 1024 : i32
      %dma_wait3A_143 = tpu.memref_slice %arg13[%dma_wait3A_142] : memref<2048xf32, #tpu.memory_space<vmem>> -> memref<512xf32, #tpu.memory_space<vmem>>
      %dma_wait3A_144 = tpu.memref_slice %arg14[%add3A_119] : memref<32768xf32, #tpu.memory_space<vmem_shared>> -> memref<512xf32, #tpu.memory_space<vmem_shared>>
      tpu.wait_dma2 semaphore(%run_scoped3A : memref<!tpu.dma_semaphore, #tpu.memory_space<semaphore_mem>>) src(%dma_wait3A_144 : memref<512xf32, #tpu.memory_space<vmem_shared>>) dst(%dma_wait3A_143 : memref<512xf32, #tpu.memory_space<vmem>>)
      tpu.yield
    }) : () -> ()
    %add3A_120 = arith.constant 12 : i32
    %add3A_121 = arith.addi %add3A_120, %select_n3A_77 : i32
    %mul3A_122 = arith.constant 2048 : i32
    %mul3A_123 = arith.muli %add3A_121, %mul3A_122 : i32
    %mul3A_124 = arith.constant 512 : i32
    %mul3A_125 = arith.muli %select_n3A_93, %mul3A_124 : i32
    %add3A_126 = arith.addi %mul3A_123, %mul3A_125 : i32
    "tpu.region"() ({
      %run_scoped3A = tpu.sem_alloc : memref<!tpu.dma_semaphore, #tpu.memory_space<semaphore_mem>>
      %dma_start3A_133 = arith.constant 1536 : i32
      %dma_start3A_134 = tpu.memref_slice %arg13[%dma_start3A_133] : memref<2048xf32, #tpu.memory_space<vmem>> -> memref<512xf32, #tpu.memory_space<vmem>>
      %dma_start3A_135 = tpu.memref_slice %arg14[%add3A_126] : memref<32768xf32, #tpu.memory_space<vmem_shared>> -> memref<512xf32, #tpu.memory_space<vmem_shared>>
      %dma_start3A_136 = arith.constant 1536 : i32
      %dma_start3A_137 = tpu.memref_slice %arg13[%dma_start3A_136] : memref<2048xf32, #tpu.memory_space<vmem>> -> memref<512xf32, #tpu.memory_space<vmem>>
      %dma_start3A_138 = tpu.memref_slice %arg14[%add3A_126] : memref<32768xf32, #tpu.memory_space<vmem_shared>> -> memref<512xf32, #tpu.memory_space<vmem_shared>>
      tpu.enqueue_dma source(%dma_start3A_138 : memref<512xf32, #tpu.memory_space<vmem_shared>>) target(%dma_start3A_137 : memref<512xf32, #tpu.memory_space<vmem>>) target_semaphore(%run_scoped3A : memref<!tpu.dma_semaphore, #tpu.memory_space<semaphore_mem>>)
      %dma_wait3A_139 = arith.constant 1536 : i32
      %dma_wait3A_140 = tpu.memref_slice %arg13[%dma_wait3A_139] : memref<2048xf32, #tpu.memory_space<vmem>> -> memref<512xf32, #tpu.memory_space<vmem>>
      %dma_wait3A_141 = tpu.memref_slice %arg14[%add3A_126] : memref<32768xf32, #tpu.memory_space<vmem_shared>> -> memref<512xf32, #tpu.memory_space<vmem_shared>>
      %dma_wait3A_142 = arith.constant 1536 : i32
      %dma_wait3A_143 = tpu.memref_slice %arg13[%dma_wait3A_142] : memref<2048xf32, #tpu.memory_space<vmem>> -> memref<512xf32, #tpu.memory_space<vmem>>
      %dma_wait3A_144 = tpu.memref_slice %arg14[%add3A_126] : memref<32768xf32, #tpu.memory_space<vmem_shared>> -> memref<512xf32, #tpu.memory_space<vmem_shared>>
      tpu.wait_dma2 semaphore(%run_scoped3A : memref<!tpu.dma_semaphore, #tpu.memory_space<semaphore_mem>>) src(%dma_wait3A_144 : memref<512xf32, #tpu.memory_space<vmem_shared>>) dst(%dma_wait3A_143 : memref<512xf32, #tpu.memory_space<vmem>>)
      tpu.yield
    }) : () -> ()
    %scan3A_127 = arith.constant 0 : i32
    %scan3A_128 = arith.constant 0 : i32
    %scan3A_129 = arith.constant 32 : i32
    %scan3A_130 = arith.addi %scan3A_128, %scan3A_129 : i32
    %scan3A_131 = arith.constant 1 : i32
    scf.for %scan3A_133 = %scan3A_128 to %scan3A_130 step %scan3A_131  : i32 {
      %mul3A_134 = arith.constant 16 : i32
      %mul3A_135 = arith.muli %scan3A_133, %mul3A_134 : i32
      %mul3A_136 = arith.constant 16 : i32
      %mul3A_137 = arith.muli %scan3A_133, %mul3A_136 : i32
      %add3A_138 = arith.constant 512 : i32
      %add3A_139 = arith.addi %add3A_138, %mul3A_137 : i32
      %mul3A_140 = arith.constant 16 : i32
      %mul3A_141 = arith.muli %scan3A_133, %mul3A_140 : i32
      %add3A_142 = arith.constant 1024 : i32
      %add3A_143 = arith.addi %add3A_142, %mul3A_141 : i32
      %mul3A_144 = arith.constant 16 : i32
      %mul3A_145 = arith.muli %scan3A_133, %mul3A_144 : i32
      %add3A_146 = arith.constant 1536 : i32
      %add3A_147 = arith.addi %add3A_146, %mul3A_145 : i32
      %get3A = arith.index_cast %mul3A_135 : i32 to index
      %get3A_148 = tpu.vector_load %arg13[%get3A] {strides = array<i32>} : memref<2048xf32, #tpu.memory_space<vmem>>, vector<16xf32>,
      %get3A_149 = arith.index_cast %add3A_139 : i32 to index
      %get3A_150 = tpu.vector_load %arg13[%get3A_149] {strides = array<i32>} : memref<2048xf32, #tpu.memory_space<vmem>>, vector<16xf32>,
      %add3A_151 = arith.addf %get3A_148, %get3A_150 : vector<16xf32>
      %get3A_152 = arith.index_cast %add3A_143 : i32 to index
      %get3A_153 = tpu.vector_load %arg13[%get3A_152] {strides = array<i32>} : memref<2048xf32, #tpu.memory_space<vmem>>, vector<16xf32>,
      %get3A_154 = arith.index_cast %add3A_147 : i32 to index
      %get3A_155 = tpu.vector_load %arg13[%get3A_154] {strides = array<i32>} : memref<2048xf32, #tpu.memory_space<vmem>>, vector<16xf32>,
      %add3A_156 = arith.addf %get3A_153, %get3A_155 : vector<16xf32>
      %add3A_157 = arith.addf %add3A_151, %add3A_156 : vector<16xf32>
      %bitcast3A = vector.bitcast %add3A_157 : vector<16xf32> to vector<16xi32>
      %broadcast_in_dim3A = arith.constant 1597463007 : i32
      %broadcast_in_dim3A_158 = vector.broadcast %broadcast_in_dim3A : i32 to vector<16xi32>
      %shift_right_arithmetic3A = arith.constant 1 : i32
      %shift_right_arithmetic3A_159 = vector.broadcast %shift_right_arithmetic3A : i32 to vector<16xi32>
      %shift_right_arithmetic3A_160 = arith.shrsi %bitcast3A, %shift_right_arithmetic3A_159 : vector<16xi32>
      %sub3A_161 = arith.subi %broadcast_in_dim3A_158, %shift_right_arithmetic3A_160 : vector<16xi32>
      %bitcast3A_162 = vector.bitcast %sub3A_161 : vector<16xi32> to vector<16xf32>
      %broadcast_in_dim3A_163 = arith.constant 5.000000e-01 : f32
      %broadcast_in_dim3A_164 = vector.broadcast %broadcast_in_dim3A_163 : f32 to vector<16xf32>
      %broadcast_in_dim3A_165 = arith.constant 1.500000e+00 : f32
      %broadcast_in_dim3A_166 = vector.broadcast %broadcast_in_dim3A_165 : f32 to vector<16xf32>
      %mul3A_167 = arith.mulf %broadcast_in_dim3A_164, %add3A_157 : vector<16xf32>
      %mul3A_168 = arith.mulf %mul3A_167, %bitcast3A_162 : vector<16xf32>
      %mul3A_169 = arith.mulf %mul3A_168, %bitcast3A_162 : vector<16xf32>
      %sub3A_170 = arith.subf %broadcast_in_dim3A_166, %mul3A_169 : vector<16xf32>
      %mul3A_171 = arith.mulf %bitcast3A_162, %sub3A_170 : vector<16xf32>
      %mul3A_172 = arith.mulf %mul3A_167, %mul3A_171 : vector<16xf32>
      %mul3A_173 = arith.mulf %mul3A_172, %mul3A_171 : vector<16xf32>
      %sub3A_174 = arith.subf %broadcast_in_dim3A_166, %mul3A_173 : vector<16xf32>
      %mul3A_175 = arith.mulf %mul3A_171, %sub3A_174 : vector<16xf32>
      %mul3A_176 = arith.mulf %mul3A_167, %mul3A_175 : vector<16xf32>
      %mul3A_177 = arith.mulf %mul3A_176, %mul3A_175 : vector<16xf32>
      %sub3A_178 = arith.subf %broadcast_in_dim3A_166, %mul3A_177 : vector<16xf32>
      %mul3A_179 = arith.mulf %mul3A_175, %sub3A_178 : vector<16xf32>
      %mul3A_180 = arith.mulf %add3A_157, %mul3A_179 : vector<16xf32>
      %swap3A = arith.index_cast %mul3A_135 : i32 to index
      %swap3A_181 = tpu.vector_load %arg13[%swap3A] {strides = array<i32>} : memref<2048xf32, #tpu.memory_space<vmem>>, vector<16xf32>,
      tpu.vector_store %arg13[%swap3A], %mul3A_180 {strides = array<i32>} : memref<2048xf32, #tpu.memory_space<vmem>>, vector<16xf32>,
    }
    %scan3A_132 = arith.constant 32 : i32
    "tpu.region"() ({
      %run_scoped3A = tpu.sem_alloc : memref<!tpu.dma_semaphore, #tpu.memory_space<semaphore_mem>>
      %dma_start3A_133 = arith.constant 0 : i32
      %dma_start3A_134 = tpu.memref_slice %arg13[%dma_start3A_133] : memref<2048xf32, #tpu.memory_space<vmem>> -> memref<512xf32, #tpu.memory_space<vmem>>
      %dma_start3A_135 = tpu.memref_slice %arg7[%add3A_98] : memref<16384xf32, #tpu.memory_space<hbm>> -> memref<512xf32, #tpu.memory_space<hbm>>
      %dma_start3A_136 = tpu.memref_slice %arg7[%add3A_98] : memref<16384xf32, #tpu.memory_space<hbm>> -> memref<512xf32, #tpu.memory_space<hbm>>
      %dma_start3A_137 = arith.constant 0 : i32
      %dma_start3A_138 = tpu.memref_slice %arg13[%dma_start3A_137] : memref<2048xf32, #tpu.memory_space<vmem>> -> memref<512xf32, #tpu.memory_space<vmem>>
      tpu.enqueue_dma source(%dma_start3A_138 : memref<512xf32, #tpu.memory_space<vmem>>) target(%dma_start3A_136 : memref<512xf32, #tpu.memory_space<hbm>>) target_semaphore(%run_scoped3A : memref<!tpu.dma_semaphore, #tpu.memory_space<semaphore_mem>>)
      %dma_wait3A_139 = arith.constant 0 : i32
      %dma_wait3A_140 = tpu.memref_slice %arg13[%dma_wait3A_139] : memref<2048xf32, #tpu.memory_space<vmem>> -> memref<512xf32, #tpu.memory_space<vmem>>
      %dma_wait3A_141 = tpu.memref_slice %arg7[%add3A_98] : memref<16384xf32, #tpu.memory_space<hbm>> -> memref<512xf32, #tpu.memory_space<hbm>>
      %dma_wait3A_142 = tpu.memref_slice %arg7[%add3A_98] : memref<16384xf32, #tpu.memory_space<hbm>> -> memref<512xf32, #tpu.memory_space<hbm>>
      %dma_wait3A_143 = arith.constant 0 : i32
      %dma_wait3A_144 = tpu.memref_slice %arg13[%dma_wait3A_143] : memref<2048xf32, #tpu.memory_space<vmem>> -> memref<512xf32, #tpu.memory_space<vmem>>
      tpu.wait_dma2 semaphore(%run_scoped3A : memref<!tpu.dma_semaphore, #tpu.memory_space<semaphore_mem>>) src(%dma_wait3A_144 : memref<512xf32, #tpu.memory_space<vmem>>) dst(%dma_wait3A_142 : memref<512xf32, #tpu.memory_space<hbm>>)
      tpu.yield
    }) : () -> ()
    return
  }
}

</mosaic_0001>

<sc_bundles>
// kernel: _transe.3.cloned.1.call-start
scs
__scs_entry_jumppad:
0x0: {  	(pc) =	sbr.rel $0x88, $3  }
0x1: {  	(tag) =	ssettag $0x0;
	lr =	simm.s32 $0x1  }
0x2: {  	[smem:$0x3F9E] =	sst lr;
	_ =	strace $0xD0000000  }
0x3: {  	_ = 	snop  }
0x4: {  	_ = 	snop  }
0x5: {  	_ = 	snop  }
0x6: {  	_ = 	snop  }
0x7: {  	_ = 	snop  }
__scs_overlays_trampoline_lowered:
0x8: {  	[smem:$0x3FAD] =	sst s0  }
0x9: {  	[smem:$0x3FAE] =	sst s1  }
0xa: {  	[smem:$0x3FAF] =	sst s2  }
0xb: {  	[smem:$0x3FB0] =	sst s3  }
0xc: {  	[smem:$0x3FB1] =	sst s4  }
0xd: {  	[smem:$0x3FB2] =	sst s5  }
0xe: {  	[smem:$0x3FB3] =	sst s6  }
0xf: {  	[smem:$0x3FB4] =	sst s7  }
0x10: {  	[smem:$0x3FB5] =	sst s8  }
0x11: {  	[smem:$0x3FB6] =	sst s9;
	s0 =	simm.s32 @!p0 $0x0  }
0x12: {  	s1 =	sld [smem:$0x3F9C];
	s0 =	simm.s32 @p0 $0x1  }
0x13: {  	[smem:$0x3FB7] =	sst s0;
	s0 =	simm.s32 @!p1 $0x0  }
0x14: {  	s2 =	sld [smem:$0x3F9B];
	s0 =	simm.s32 @p1 $0x1  }
0x15: {  	[smem:$0x3FB8] =	sst s0;
	s0 =	simm.s32 @!p2 $0x0  }
0x16: {  	s3 =	sld [smem:$0x3FDB];
	s0 =	simm.s32 @p2 $0x1  }
0x17: {  	s4 =	simm.s32 $0x1BF5;
	[smem:$0x3FBA] =	sst s0  }
0x18: {  	s0 =	sld [smem:$0x3F9D];
	_ =	swait.ge [sflag:s4], $0x0  }
0x19: {  	s7 =	sld [smem:$0x3F9E]  }
0x1a: {  	s8 =	sadd.s32 $0xFFFFE003, lr  }
0x1b: {  	s9 =	sadd.s32 $0xFFFFFEF7, lr;
	s5 =	simm.s32 $0xFFFFFFFF;
	p2 =	slt.u32 s8, $0xFFFFF086  }
0x1c: {  	p1 =	slt.u32 s9, $0xF7A;
	s5 =	simm.s32 @!p2 $0x0  }
0x1d: {  	s5 =	simm.s32 @p1 $0x1;
	p0 =	seq.s32 s7, s2  }
0x1e: {  	s7 =	smul.u32 @!p0 $0xF7A, s2;
	p2 =	seq.s32 @!p0 s5, $0x0  }
0x1f: {  	s9 =	smul.u32 $0xF7A, s1;
	s8 =	simm.s32 @!p0 $0x1BF5;
	p2 =	por !p2, p0  }
0x20: {  	[sflag:s8] =	ssyncset.s32 @!p0 $0xFFFFF086;
	s6 =	sadd.s32 @!p0 s3, s7;
	s7 =	simm.s32 @!p0 $0x108  }
0x21: {  	s3 =	sadd.s32 s3, s9;
	s6 =	sadd.s32 @!p0 $0x88, s6;
	s7 =	simm.s32 @p2 $0x1082  }
0x22: {  	[simem:s7], [sflag:s8] =	dma.local @!p0 [hbm:s6], $0xF7A  }
0x23: {  	s9 =	sor.u32 $0xD0000000, s2;
	s6 =	simm.s32 $0x108;
	_ =	swait.ge @!p0 [sflag:s8], $0x0  }
0x24: {  	s3 =	sadd.s32 $0x88, s3;
	s6 =	simm.s32 @!p1 $0x1082;
	[sflag:s4] =	ssyncset.s32 $0xFFFFF086  }
0x25: {  	[simem:s6], [sflag:s4] =	dma.local [hbm:s3], $0xF7A  }
0x26: {  	[smem:$0x3F9E] =	sst s1;
	(tag) =	ssettag s2;
	_ =	strace s9  }
0x27: {  	s1 =	sld [smem:$0x3FAE]  }
0x28: {  	s2 =	sld [smem:$0x3FAF]  }
0x29: {  	s4 =	sld [smem:$0x3FB1]  }
0x2a: {  	p0 =	seq.s32 s5, $0x0;
	s5 =	sld [smem:$0x3FB2]  }
0x2b: {  	s6 =	sld [smem:$0x3FB3]  }
0x2c: {  	s7 =	sld [smem:$0x3FB4]  }
0x2d: {  	s3 =	simm.s32 $0x108;
	s8 =	sld [smem:$0x3FB5]  }
0x2e: {  	s3 =	simm.s32 @!p0 $0x1082;
	s9 =	sld [smem:$0x3FB6]  }
0x2f: {  	lr =	sadd.s32 s0, s3;
	s0 =	sld [smem:$0x3FAD]  }
0x30: {  	s3 =	sld [smem:$0x3FB0]  }
0x31: {  	[smem:$0x3FB9] =	sst s10  }
0x32: {  	s10 =	sld [smem:$0x3FB7];
	_ =	sdelay $0x3  }
0x33: {  	p0 =	seq.s32 s10, $0x1;
	s10 =	sld [smem:$0x3FB9];
	_ =	sdelay $0x3  }
0x34: {  	[smem:$0x3FB9] =	sst s10  }
0x35: {  	s10 =	sld [smem:$0x3FB8];
	_ =	sdelay $0x3  }
0x36: {  	p1 =	seq.s32 s10, $0x1;
	s10 =	sld [smem:$0x3FB9];
	_ =	sdelay $0x3  }
0x37: {  	[smem:$0x3FB9] =	sst s10  }
0x38: {  	s10 =	sld [smem:$0x3FBA]  }
0x39: {  	_ = 	snop;
	(pc) =	sbr.ind lr, $3  }
0x3a: {  	_ = 	snop  }
0x3b: {  	_ = 	snop  }
0x3c: {  	p2 =	seq.s32 s10, $0x1;
	s10 =	sld [smem:$0x3FB9]  }
0x3d: {  	_ =	shalt  }
0x3e: {  	_ =	shalt  }
0x3f: {  	_ =	shalt  }
0x40: {  	_ =	shalt  }
0x41: {  	_ =	shalt  }
0x42: {  	_ =	shalt  }
0x43: {  	_ =	shalt  }
0x44: {  	_ =	shalt  }
0x45: {  	_ =	shalt  }
0x46: {  	_ =	shalt  }
0x47: {  	_ =	shalt  }
0x48: {  	_ =	shalt  }
0x49: {  	_ =	shalt  }
0x4a: {  	_ =	shalt  }
0x4b: {  	_ =	shalt  }
0x4c: {  	_ =	shalt  }
0x4d: {  	_ =	shalt  }
0x4e: {  	_ =	shalt  }
0x4f: {  	_ =	shalt  }
0x50: {  	_ =	shalt  }
0x51: {  	_ =	shalt  }
0x52: {  	_ =	shalt  }
0x53: {  	_ =	shalt  }
0x54: {  	_ =	shalt  }
0x55: {  	_ =	shalt  }
0x56: {  	_ =	shalt  }
0x57: {  	_ =	shalt  }
0x58: {  	_ =	shalt  }
0x59: {  	_ =	shalt  }
0x5a: {  	_ =	shalt  }
0x5b: {  	_ =	shalt  }
0x5c: {  	_ =	shalt  }
0x5d: {  	_ =	shalt  }
0x5e: {  	_ =	shalt  }
0x5f: {  	_ =	shalt  }
0x60: {  	_ =	shalt  }
0x61: {  	_ =	shalt  }
0x62: {  	_ =	shalt  }
0x63: {  	_ =	shalt  }
0x64: {  	_ =	shalt  }
0x65: {  	_ =	shalt  }
0x66: {  	_ =	shalt  }
0x67: {  	_ =	shalt  }
0x68: {  	_ =	shalt  }
0x69: {  	_ =	shalt  }
0x6a: {  	_ =	shalt  }
0x6b: {  	_ =	shalt  }
0x6c: {  	_ =	shalt  }
0x6d: {  	_ =	shalt  }
0x6e: {  	_ =	shalt  }
0x6f: {  	_ =	shalt  }
0x70: {  	_ =	shalt  }
0x71: {  	_ =	shalt  }
0x72: {  	_ =	shalt  }
0x73: {  	_ =	shalt  }
0x74: {  	_ =	shalt  }
0x75: {  	_ =	shalt  }
0x76: {  	_ =	shalt  }
0x77: {  	_ =	shalt  }
0x78: {  	_ =	shalt  }
0x79: {  	_ =	shalt  }
0x7a: {  	_ =	shalt  }
0x7b: {  	_ =	shalt  }
0x7c: {  	_ =	shalt  }
0x7d: {  	_ =	shalt  }
0x7e: {  	_ =	shalt  }
0x7f: {  	_ =	shalt  }
0x80: {  	_ =	shalt  }
0x81: {  	_ =	shalt  }
0x82: {  	_ =	shalt  }
0x83: {  	_ =	shalt  }
0x84: {  	_ =	shalt  }
0x85: {  	_ =	shalt  }
0x86: {  	_ =	shalt  }
0x87: {  	_ =	shalt  }
.Lfunc_end0:
.L_simem_size_0:
called_computation_lowered:
.L_overlay_start_0:
0x88: {  	s2 =	sld [smem:$0x3FD9]  }
0x89: {  	s3 =	sld [smem:$0x3FFE];
	_ =	sdelay $0x1  }
0x8a: {  	s1 =	srdreg.scid  }
0x8b: {  	s0 =	sand.u32 $0x1, s1  }
0x8c: {  	s17 =	sshll.u32 s0, $0xA;
	s2 =	sadd.s32 s3, s2  }
0x8d: {  	s2 =	sadd.s32 s2, s17  }
0x8e: {  	[smem:$0x3FC5] =	sst s2  }
0x8f: {  	_ = 	snop  }
0x90: {  	s2 =	sld [smem:$0x3FD0];
	(tm) =	ssettm $0x1  }
0x91: {  	s18 =	sld [smem:$0x3FFB];
	_ =	sdelay $0x3  }
0x92: {  	_ =	strace s18  }
0x93: {  	s3 =	sld [smem:$0x3FFC];
	_ =	sdelay $0x3  }
0x94: {  	_ =	strace s3  }
0x95: {  	s3 =	sld [smem:$0x3FFD];
	_ =	sdelay $0x3  }
0x96: {  	_ =	strace s3  }
0x97: {  	_ =	strace $0x8FFFFFFF  }
0x98: {  	s19 =	sld [smem:$0x3FDB];
	_ =	sdelay $0x1  }
0x99: {  	s4 =	simm.s32 $_scs_section_size  }
0x9a: {  	s5 =	simm.s32 $_size__tile_overlayer_lowered;
	s6 =	simm.s32 $_tile_overlayer_lowered  }
0x9b: {  	s22 =	simm.s32 $0x1BFF;
	s21 =	sshll.u32 s6, $0x1;
	s3 =	sadd.s32 s4, s19  }
0x9c: {  	s7 =	simm.s32 $0x0;
	s20 =	sshll.u32 s5, $0x1;
	s5 =	sadd.s32 s21, s3  }
0x9d: {  	[timem:s7], [sflag:s22] =	dma.local [hbm:s5], s20  }
0x9e: {  	_ =	swait.ge [sflag:s22], s20  }
0x9f: {  	s4 =	ssub.s32 $0x0, s20;
	[sflag:s22] =	ssyncset.done $0x0  }
0xa0: {  	[sflag:s22] =	ssyncadd.s32 s4;
	_ =	sdelay $0x1  }
0xa1: {  	s23 =	simm.s32 $0x1B8B  }
0xa2: {  	_ =	swait.ge [sflag:s23], $0x1  }
0xa3: {  	[sflag:s23] =	ssyncset.done $0x0  }
0xa4: {  	s25 =	simm.s32 $0x1B8E;
	s24 =	sld [smem:$0x3FFE];
	[sflag:s23] =	ssyncadd.s32 $0xFFFFFFFF  }
0xa5: {  	s26 =	simm.s32 $execute0_lowered;
	[smem:$0x3FD2] =	sst s25  }
0xa6: {  	s5 =	sshll.u32 s26, $0x1;
	_ =	strace $0x80000046;
	[dreg:$0x1] =	wrdreg $0xFFFFFFFF  }
0xa7: {  	s28 =	simm.s32 $_size_execute0_lowered;
	s3 =	sadd.s32 s3, s5;
	[dreg:$0x0] =	wrdreg $0x0  }
0xa8: {  	s5 =	sshll.u32 s28, $0x1;
	[dreg:$0x2] =	wrdreg s3  }
0xa9: {  	[dreg:$0x3] =	wrdreg s5  }
0xaa: {  	[dreg:$0x4] =	wrdreg $0xC0  }
0xab: {  	_ =	task [dreg:s7], $0x5FFFF  }
0xac: {  	[dreg:$0x1] =	wrdreg $0xFFFFFFFF  }
0xad: {  	[dreg:$0x0] =	wrdreg $0x60  }
0xae: {  	[dreg:$0x2] =	wrdreg s24  }
0xaf: {  	[dreg:$0x3] =	wrdreg s2  }
0xb0: {  	[dreg:$0x4] =	wrdreg $0x9D000  }
0xb1: {  	[dreg:$0x5] =	wrdreg $0x9  }
0xb2: {  	_ =	task.clear_ibuf [dreg:s7], $0x6FFFF;
	_ =	strace $0x90000046  }
0xb3: {  	s29 =	simm.s32 $0x9;
	_ =	strace $0x80000048  }
0xb4: {  	_ =	swait.ge [sflag:s29], $0x1  }
0xb5: {  	[sflag:s29] =	ssyncadd.s32 $0xFFFFFFFF  }
0xb6: {  	_ =	strace $0x90000048  }
0xb7: {  	_ =	sfence  }
0xb8: {  	s30 =	sld [smem:$0x0];
	_ =	sdelay $0x2  }
0xb9: {  	s31 =	sshll.u32 s1, $0xD;
	s1 =	sshrl.u32 s1, $0x2  }
0xba: {  	s3 =	sand.u32 $0x4000, s31;
	s1 =	sadd.s32 s1, s30  }
0xbb: {  	s0 =	sor.u32 s3, s0;
	s1 =	sshll.u32 s1, $0x11  }
0xbc: {  	s0 =	sor.u32 s1, s0  }
0xbd: {  	s0 =	sadd.s32 $0x8F2B, s0  }
0xbe: {  	[sflag:s0] =	ssyncadd.remote.s32 $0x1  }
0xbf: {  	_ =	sfence.sel $0xFFFF  }
0xc0: {  	[dreg:$0x0] =	wrdreg $0xFFFFFFFF;
	(pc) =	sbr.abs _section_cstart, $3  }
0xc1: {  	[dreg:$0x1] =	wrdreg $0xFFFFFFFF  }
0xc2: {  	_ =	task.clear_ibuf [dreg:s7], $0x2FFFF;
	_ =	strace $0x9FFFFFFF  }
0xc3: {  	(tm) =	ssettm $0x7FFFFFFF  }
tec
execute0_lowered:
.L_overlay_start_1:
0x0: {  	(tag) =	ssettag $0x1  }
0x1: {  	s3 =	rddreg [dreg:$0x0]  }
0x2: {  	s13 =	rddreg [dreg:$0x1]  }
0x3: {  	s8 =	rddreg [dreg:$0x2]  }
0x4: {  	s0 =	rddreg [dreg:$0x3];
	s2 =	simm.s32 $0x0  }
0x5: {  	s4 =	srdreg.scid;
	s1 =	stileid.u32;
	s16 =	simm.s32 $0x5680  }
0x6: {  	s17 =	simm.s32 $0x2;
	s18 =	simm.s32 $0x1;
	s19 =	simm.s32 $0x9500  }
0x7: {  	s20 =	simm.s32 $0x9700;
	s21 =	simm.s32 $0x9900;
	s22 =	simm.s32 $0x9B00  }
0x8: {  	s23 =	simm.s32 $0x0;
	[smem:$0x7FF] =	sst s2;
	s4 =	sand.u32 $0x1, s4  }
0x9: {  	s9 =	sand.u32 $0x3, s1;
	s10 =	sshrl.u32 s1, $0x2;
	s30 =	sshll.u32 s1, $0xB  }
0xa: {  	s15 =	sshll.u32 s1, $0x9;
	s11 =	sshll.u32 s4, $0xD;
	s5 =	sshll.u32 s9, $0xB  }
0xb: {  	s6 =	smul.u32 $0x7D0, s10;
	_ =	strace $0x80000047;
	s4 =	ssub.s32 $0x2, s4  }
0xc: {  	s10 =	sshll.u32 s10, $0xB;
	s9 =	sshll.u32 s9, $0x9;
	s5 =	sor.u32 s11, s5  }
0xd: {  	s7 =	sshrl.u32 s4, $0x1;
	s10 =	sadd.s32 s10, s8;
	s8 =	sadd.s32 s30, s8  }
0xe: {  	s31 =	sor.u32 s15, s11;
	s5 =	sshrl.u32 s5, $0x3;
	s6 =	sadd.s32 s6, s3  }
0xf: {  	s14 =	ssub.s32 s4, s7;
	s9 =	sadd.s32 s9, s10;
	s15 =	sshrl.u32 s31, $0x3  }
0x10: {  	s12 =	sadd.s32 s5, s3;
	s3 =	sadd.s32 $0x1E00, s6;
	s4 =	sadd.s32 $0x3E00, s6  }
0x11: {  	s10 =	sadd.s32 $0x2000, s9;
	s11 =	sadd.s32 $0x4000, s9;
	s13 =	sadd.s32 s13, s15  }
0x12: {  	s14 =	smax.u32 s14, $0x1;
	s15 =	simm.s32 $0x1800;
	s5 =	sadd.s32 $0x1600, s12  }
0x13: {  	v0 =	vlaneseq.u32;
	s6 =	sadd.s32 $0xE00, s12;
	s7 =	sadd.s32 $0x600, s12;
	s12 =	sadd.s32 $0x6000, s9  }
.LBB2_1:
0x14: {  	[tilespmem:s15], [sflag:$0x1] =	stream.linear.gather [hbm4b:s3+s2], $0x3E80, $0x38;
	[tilespmem:$0xA500] =	vst v63  }
0x15: {  	_ = 	snop  }
0x16: {  	[tilespmem:s16], [sflag:$0x1] =	stream.linear.gather [hbm4b:s4+s2], $0x3E80, $0x38;
	[tilespmem:$0xA500] =	vst v63  }
0x17: {  	_ = 	snop  }
0x18: {  	[tilespmem:s2], [sflag:$0x2] =	stream.linear.gather [hbm4b:s5+s2], $0x800, $0x38;
	[tilespmem:$0xA500] =	vst v63  }
0x19: {  	_ =	swait.ge [sflag:s17], $0x800  }
0x1a: {  	[sflag:s17] =	ssyncset.done $0x0  }
0x1b: {  	s24 =	simm.s32 $0x800;
	[sflag:s17] =	ssyncadd.s32 $0xFFFFF800  }
0x1c: {  	[tilespmem:s24], [sflag:$0x2] =	stream.linear.gather [hbm4b:s6+s2], $0x800, $0x38;
	[tilespmem:$0xA500] =	vst v63  }
0x1d: {  	_ =	swait.ge [sflag:s17], $0x800  }
0x1e: {  	[sflag:s17] =	ssyncset.done $0x0  }
0x1f: {  	s25 =	simm.s32 $0x1000;
	[sflag:s17] =	ssyncadd.s32 $0xFFFFF800  }
0x20: {  	[tilespmem:s25], [sflag:$0x2] =	stream.linear.gather [hbm4b:s7+s2], $0x800, $0x38;
	[tilespmem:$0xA500] =	vst v63  }
0x21: {  	_ =	swait.ge [sflag:s17], $0x800  }
0x22: {  	[sflag:s17] =	ssyncset.done $0x0  }
0x23: {  	[sflag:s17] =	ssyncadd.s32 $0xFFFFF800  }
0x24: {  	_ =	swait.ge [sflag:s18], $0x3E80  }
0x25: {  	[sflag:s18] =	ssyncset.done $0x0  }
0x26: {  	[sflag:s18] =	ssyncadd.s32 $0xFFFFC180  }
0x27: {  	_ =	swait.ge [sflag:s18], $0x3E80  }
0x28: {  	[sflag:s18] =	ssyncset.done $0x0  }
0x29: {  	[sflag:s18] =	ssyncadd.s32 $0xFFFFC180  }
0x2a: {  	v1 =	vld [tilespmem:s25+$0x0]  }
0x2b: {  	v16 =	vld [tilespmem:s2+$0x0]  }
0x2c: {  	v33 =	vld [tilespmem:s24+$0x0];
	_ =	sdelay $0x3  }
0x2d: {  	v2 =	vadd.s32 $0x2EE0, v1  }
0x2e: {  	v3 =	vadd.s32 $0x32C8, v1  }
0x2f: {  	v4 =	vadd.s32 $0x36B0, v1;
	v7 =	vld.idx.msk [tilespmem:v1+s15+$0x0], $0xffff  }
0x30: {  	v5 =	vadd.s32 $0x3A98, v1;
	v14 =	vld.idx.msk [tilespmem:v16+s15+$0x0], $0xffff  }
0x31: {  	v8 =	vadd.s32 $0x1F40, v1;
	v31 =	vld.idx.msk [tilespmem:v33+s16+$0x0], $0xffff  }
0x32: {  	v9 =	vadd.s32 $0x2EE0, v16;
	v2 =	vld.idx.msk [tilespmem:v2+s15+$0x0], $0xffff  }
0x33: {  	v10 =	vadd.s32 $0x32C8, v16;
	v3 =	vld.idx.msk [tilespmem:v3+s15+$0x0], $0xffff  }
0x34: {  	v11 =	vadd.s32 $0x36B0, v16;
	v4 =	vld.idx.msk [tilespmem:v4+s15+$0x0], $0xffff  }
0x35: {  	v13 =	vadd.s32 $0x1F40, v16;
	v6 =	vld.idx.msk [tilespmem:v5+s15+$0x0], $0xffff  }
0x36: {  	v19 =	vadd.s32 $0x2710, v16;
	v5 =	vld.idx.msk [tilespmem:v8+s15+$0x0], $0xffff  }
0x37: {  	v20 =	vadd.s32 $0x2AF8, v16;
	v12 =	vld.idx.msk [tilespmem:v9+s15+$0x0], $0xffff  }
0x38: {  	v8 =	vadd.s32 $0x3A98, v16;
	v17 =	vld.idx.msk [tilespmem:v10+s15+$0x0], $0xffff  }
0x39: {  	v18 =	vadd.s32 $0x2328, v16;
	v9 =	vld.idx.msk [tilespmem:v11+s15+$0x0], $0xffff  }
0x3a: {  	v21 =	vadd.s32 $0x3E8, v16;
	v10 =	vld.idx.msk [tilespmem:v13+s15+$0x0], $0xffff  }
0x3b: {  	v22 =	vadd.s32 $0x7D0, v16;
	v11 =	vld.idx.msk [tilespmem:v19+s15+$0x0], $0xffff  }
0x3c: {  	v25 =	vadd.s32 $0x1388, v16;
	v13 =	vld.idx.msk [tilespmem:v20+s15+$0x0], $0xffff  }
0x3d: {  	v24 =	vadd.s32 $0xFA0, v16;
	v15 =	vld.idx.msk [tilespmem:v8+s15+$0x0], $0xffff  }
0x3e: {  	v8 =	vld.idx.msk [tilespmem:v18+s15+$0x0], $0xffff;
	v18 =	vadd.s32 $0xBB8, v16  }
0x3f: {  	v26 =	vadd.s32 $0x1770, v16;
	v23 =	vld.idx.msk [tilespmem:v21+s15+$0x0], $0xffff  }
0x40: {  	v28 =	vadd.s32 $0x3A98, v33;
	v19 =	vld.idx.msk [tilespmem:v22+s15+$0x0], $0xffff  }
0x41: {  	v30 =	vadd.s32 $0x1F40, v33;
	v20 =	vld.idx.msk [tilespmem:v25+s15+$0x0], $0xffff  }
0x42: {  	v22 =	vadd.s32 $0x1B58, v16;
	v16 =	vld.idx.msk [tilespmem:v24+s15+$0x0], $0xffff;
	v24 =	vadd.s32 $0x2EE0, v33  }
0x43: {  	v21 =	vld.idx.msk [tilespmem:v18+s15+$0x0], $0xffff  }
0x44: {  	v18 =	vld.idx.msk [tilespmem:v26+s15+$0x0], $0xffff;
	v26 =	vadd.s32 $0x36B0, v33  }
0x45: {  	v25 =	vadd.s32 $0x32C8, v33;
	v35 =	vld.idx.msk [tilespmem:v28+s16+$0x0], $0xffff  }
0x46: {  	v32 =	vadd.s32 $0x2328, v33;
	v30 =	vld.idx.msk [tilespmem:v30+s16+$0x0], $0xffff  }
0x47: {  	v27 =	vld.idx.msk [tilespmem:v24+s16+$0x0], $0xffff;
	v24 =	vadd.s32 $0x2710, v33  }
0x48: {  	v36 =	vadd.s32 $0x2AF8, v33;
	v22 =	vld.idx.msk [tilespmem:v22+s15+$0x0], $0xffff  }
0x49: {  	v29 =	vld.idx.msk [tilespmem:v26+s16+$0x0], $0xffff;
	v26 =	vadd.s32 $0x3E8, v33  }
0x4a: {  	v37 =	vadd.s32 $0x7D0, v33;
	v34 =	vld.idx.msk [tilespmem:v25+s16+$0x0], $0xffff  }
0x4b: {  	v41 =	vadd.s32 $0xBB8, v33;
	v25 =	vld.idx.msk [tilespmem:v32+s16+$0x0], $0xffff  }
0x4c: {  	v40 =	vadd.s32 $0xFA0, v33;
	v28 =	vld.idx.msk [tilespmem:v24+s16+$0x0], $0xffff  }
0x4d: {  	v39 =	vadd.s32 $0x1388, v33;
	v24 =	vld.idx.msk [tilespmem:v36+s16+$0x0], $0xffff  }
0x4e: {  	v38 =	vadd.s32 $0x1770, v33;
	v32 =	vld.idx.msk [tilespmem:v26+s16+$0x0], $0xffff  }
0x4f: {  	v26 =	vld.idx.msk [tilespmem:v37+s16+$0x0], $0xffff;
	v37 =	vadd.s32 $0x1B58, v33  }
0x50: {  	s28 =	simm.s32 $0x10;
	s26 =	simm.s32 $0x0;
	s29 =	simm.s32 $0x0;
	v36 =	vadd.s32 $0x2328, v1;
	v33 =	vld.idx.msk [tilespmem:v41+s16+$0x0], $0xffff  }
.LBB2_2:
0x51: {  	p0 =	sne.s32 s28, $0x7F0;
	v41 =	vadd.s32 $0x3E8, v1;
	v40 =	vld.idx.msk [tilespmem:v40+s16+$0x0], $0xffff  }
0x52: {  	v14 =	vadd.f32 v31, v14;
	v31 =	vadd.s32 $0x7D0, v1;
	v39 =	vld.idx.msk [tilespmem:v39+s16+$0x0], $0xffff  }
0x53: {  	v42 =	vadd.s32 $0xBB8, v1;
	v12 =	vadd.f32 v27, v12;
	v17 =	vadd.f32 v34, v17;
	v38 =	vld.idx.msk [tilespmem:v38+s16+$0x0], $0xffff  }
0x54: {  	v27 =	vadd.s32 $0xFA0, v1;
	v9 =	vadd.f32 v29, v9;
	v15 =	vadd.f32 v35, v15;
	v34 =	vld.idx.msk [tilespmem:v37+s16+$0x0], $0xffff  }
0x55: {  	v10 =	vadd.f32 v30, v10;
	v7 =	vsub.f32 v14, v7;
	v14 =	vadd.s32 $0x1388, v1;
	v29 =	vld.idx.msk [tilespmem:v36+s15+$0x0], $0xffff  }
0x56: {  	v35 =	vadd.s32 $0x1770, v1;
	v8 =	vadd.f32 v25, v8;
	v11 =	vadd.f32 v28, v11;
	v30 =	vld.idx.msk [tilespmem:v41+s15+$0x0], $0xffff  }
0x57: {  	v28 =	vadd.s32 $0x1B58, v1;
	v13 =	vadd.f32 v24, v13;
	v23 =	vadd.f32 v32, v23;
	v25 =	vld.idx.msk [tilespmem:v31+s15+$0x0], $0xffff  }
0x58: {  	v19 =	vadd.f32 v26, v19;
	v26 =	vadd.s32 $0x2710, v1;
	v21 =	vadd.f32 v33, v21;
	v24 =	vld.idx.msk [tilespmem:v42+s15+$0x0], $0xffff  }
0x59: {  	v1 =	vadd.s32 $0x2AF8, v1;
	v16 =	vadd.f32 v40, v16;
	v20 =	vadd.f32 v39, v20;
	v27 =	vld.idx.msk [tilespmem:v27+s15+$0x0], $0xffff  }
0x5a: {  	v18 =	vadd.f32 v38, v18;
	v22 =	vadd.f32 v34, v22;
	v14 =	vld.idx.msk [tilespmem:v14+s15+$0x0], $0xffff  }
0x5b: {  	v2 =	vsub.f32 v12, v2;
	v3 =	vsub.f32 v17, v3;
	v31 =	vld.idx.msk [tilespmem:v35+s15+$0x0], $0xffff  }
0x5c: {  	v4 =	vsub.f32 v9, v4;
	v6 =	vsub.f32 v15, v6;
	v12 =	vld.idx.msk [tilespmem:v28+s15+$0x0], $0xffff  }
0x5d: {  	v5 =	vsub.f32 v10, v5;
	v8 =	vsub.f32 v8, v29;
	v9 =	vld.idx.msk [tilespmem:v26+s15+$0x0], $0xffff  }
0x5e: {  	v7 =	vmul.f32 v7, v7;
	v10 =	vsub.f32 v23, v30;
	v15 =	vsub.f32 v19, v25;
	v1 =	vld.idx.msk [tilespmem:v1+s15+$0x0], $0xffff  }
0x5f: {  	v2 =	vmul.f32 v2, v2;
	v17 =	vsub.f32 v21, v24;
	v16 =	vsub.f32 v16, v27  }
0x60: {  	v5 =	vmul.f32 v5, v5;
	v3 =	vmul.f32 v3, v3;
	v14 =	vsub.f32 v20, v14  }
0x61: {  	v8 =	vmul.f32 v8, v8;
	v10 =	vmul.f32 v10, v10;
	v18 =	vsub.f32 v18, v31  }
0x62: {  	v15 =	vmul.f32 v15, v15;
	v17 =	vmul.f32 v17, v17;
	v12 =	vsub.f32 v22, v12  }
0x63: {  	v16 =	vmul.f32 v16, v16;
	v14 =	vmul.f32 v14, v14;
	v9 =	vsub.f32 v11, v9  }
0x64: {  	v11 =	vmul.f32 v18, v18;
	v12 =	vmul.f32 v12, v12;
	v1 =	vsub.f32 v13, v1  }
0x65: {  	v7 =	vadd.f32 v16, v7;
	v10 =	vadd.f32 v14, v10;
	v9 =	vmul.f32 v9, v9  }
0x66: {  	v11 =	vadd.f32 v11, v15;
	v12 =	vadd.f32 v12, v17;
	v1 =	vmul.f32 v1, v1  }
0x67: {  	v4 =	vmul.f32 v4, v4;
	v5 =	vadd.f32 v5, v7;
	v7 =	vadd.f32 v8, v10  }
0x68: {  	v6 =	vmul.f32 v6, v6;
	v8 =	vadd.f32 v9, v11;
	v1 =	vadd.f32 v1, v12  }
0x69: {  	v2 =	vadd.f32 v2, v5;
	v3 =	vadd.f32 v3, v7  }
0x6a: {  	v4 =	vadd.f32 v4, v8;
	v1 =	vadd.f32 v6, v1  }
0x6b: {  	v5 =	vor.u32 s26, v0;
	s26 =	smov.u32 s28  }
0x6c: {  	v2 =	vadd.f32 v3, v2;
	v1 =	vadd.f32 v1, v4;
	_ =	sdelay $0x1  }
0x6d: {  	v1 =	vadd.f32 v1, v2;
	_ =	sdelay $0x1  }
0x6e: {  	s25 =	sadd.s32 $0x10, s25;
	[tilespmem:v5+s19+$0x0] =	vst.idx.msk $0xffff, v1  }
0x6f: {  	v1 =	vld [tilespmem:s25+$0x0];
	_ =	sdelay $0x4  }
0x70: {  	s29 =	sadd.s32 $0x10, s29;
	v2 =	vadd.s32 $0x2EE0, v1  }
0x71: {  	v3 =	vadd.s32 $0x32C8, v1;
	v16 =	vld [tilespmem:s29+$0x0]  }
0x72: {  	v4 =	vadd.s32 $0x36B0, v1  }
0x73: {  	v5 =	vadd.s32 $0x3A98, v1  }
0x74: {  	v8 =	vadd.s32 $0x1F40, v1;
	v7 =	vld.idx.msk [tilespmem:v1+s15+$0x0], $0xffff  }
0x75: {  	v2 =	vld.idx.msk [tilespmem:v2+s15+$0x0], $0xffff  }
0x76: {  	v9 =	vadd.s32 $0x2EE0, v16;
	v3 =	vld.idx.msk [tilespmem:v3+s15+$0x0], $0xffff  }
0x77: {  	v10 =	vadd.s32 $0x32C8, v16;
	v4 =	vld.idx.msk [tilespmem:v4+s15+$0x0], $0xffff  }
0x78: {  	v11 =	vadd.s32 $0x36B0, v16;
	v6 =	vld.idx.msk [tilespmem:v5+s15+$0x0], $0xffff  }
0x79: {  	v5 =	vld.idx.msk [tilespmem:v8+s15+$0x0], $0xffff;
	v8 =	vadd.s32 $0x3A98, v16  }
0x7a: {  	v13 =	vadd.s32 $0x1F40, v16;
	v14 =	vld.idx.msk [tilespmem:v16+s15+$0x0], $0xffff  }
0x7b: {  	v18 =	vadd.s32 $0x2328, v16;
	v12 =	vld.idx.msk [tilespmem:v9+s15+$0x0], $0xffff  }
0x7c: {  	v19 =	vadd.s32 $0x2710, v16;
	v17 =	vld.idx.msk [tilespmem:v10+s15+$0x0], $0xffff  }
0x7d: {  	v9 =	vld.idx.msk [tilespmem:v11+s15+$0x0], $0xffff  }
0x7e: {  	v20 =	vadd.s32 $0x2AF8, v16;
	v15 =	vld.idx.msk [tilespmem:v8+s15+$0x0], $0xffff  }
0x7f: {  	v21 =	vadd.s32 $0x3E8, v16;
	v10 =	vld.idx.msk [tilespmem:v13+s15+$0x0], $0xffff  }
0x80: {  	v22 =	vadd.s32 $0x7D0, v16;
	v8 =	vld.idx.msk [tilespmem:v18+s15+$0x0], $0xffff  }
0x81: {  	s24 =	sadd.s32 $0x10, s24;
	v18 =	vadd.s32 $0xBB8, v16;
	v11 =	vld.idx.msk [tilespmem:v19+s15+$0x0], $0xffff  }
0x82: {  	v24 =	vadd.s32 $0xFA0, v16;
	v33 =	vld [tilespmem:s24+$0x0]  }
0x83: {  	v25 =	vadd.s32 $0x1388, v16;
	v13 =	vld.idx.msk [tilespmem:v20+s15+$0x0], $0xffff  }
0x84: {  	v26 =	vadd.s32 $0x1770, v16;
	v23 =	vld.idx.msk [tilespmem:v21+s15+$0x0], $0xffff  }
0x85: {  	v19 =	vld.idx.msk [tilespmem:v22+s15+$0x0], $0xffff;
	v22 =	vadd.s32 $0x1B58, v16  }
0x86: {  	v21 =	vld.idx.msk [tilespmem:v18+s15+$0x0], $0xffff  }
0x87: {  	v16 =	vld.idx.msk [tilespmem:v24+s15+$0x0], $0xffff;
	v24 =	vadd.s32 $0x2EE0, v33  }
0x88: {  	v20 =	vld.idx.msk [tilespmem:v25+s15+$0x0], $0xffff;
	v25 =	vadd.s32 $0x32C8, v33  }
0x89: {  	v18 =	vld.idx.msk [tilespmem:v26+s15+$0x0], $0xffff;
	v26 =	vadd.s32 $0x36B0, v33  }
0x8a: {  	v28 =	vadd.s32 $0x3A98, v33;
	v22 =	vld.idx.msk [tilespmem:v22+s15+$0x0], $0xffff  }
0x8b: {  	v30 =	vadd.s32 $0x1F40, v33;
	v31 =	vld.idx.msk [tilespmem:v33+s16+$0x0], $0xffff  }
0x8c: {  	v32 =	vadd.s32 $0x2328, v33;
	v27 =	vld.idx.msk [tilespmem:v24+s16+$0x0], $0xffff  }
0x8d: {  	v24 =	vadd.s32 $0x2710, v33;
	v34 =	vld.idx.msk [tilespmem:v25+s16+$0x0], $0xffff  }
0x8e: {  	v36 =	vadd.s32 $0x2AF8, v33;
	v29 =	vld.idx.msk [tilespmem:v26+s16+$0x0], $0xffff  }
0x8f: {  	v26 =	vadd.s32 $0x3E8, v33;
	v35 =	vld.idx.msk [tilespmem:v28+s16+$0x0], $0xffff  }
0x90: {  	v37 =	vadd.s32 $0x7D0, v33;
	v30 =	vld.idx.msk [tilespmem:v30+s16+$0x0], $0xffff  }
0x91: {  	v41 =	vadd.s32 $0xBB8, v33;
	v25 =	vld.idx.msk [tilespmem:v32+s16+$0x0], $0xffff  }
.Ltmp0:
0x92: {  	v40 =	vadd.s32 $0xFA0, v33;
	v28 =	vld.idx.msk [tilespmem:v24+s16+$0x0], $0xffff;
	(pc) =	sbr.rel @p0 .LBB2_2-.Ltmp0, $4  }
0x93: {  	v39 =	vadd.s32 $0x1388, v33;
	v24 =	vld.idx.msk [tilespmem:v36+s16+$0x0], $0xffff  }
0x94: {  	v38 =	vadd.s32 $0x1770, v33;
	v32 =	vld.idx.msk [tilespmem:v26+s16+$0x0], $0xffff  }
0x95: {  	v26 =	vld.idx.msk [tilespmem:v37+s16+$0x0], $0xffff;
	v37 =	vadd.s32 $0x1B58, v33  }
0x96: {  	s28 =	sadd.s32 $0x10, s28;
	v36 =	vadd.s32 $0x2328, v1;
	v33 =	vld.idx.msk [tilespmem:v41+s16+$0x0], $0xffff  }
0x97: {  	_ =	sdelay $0x3  }
0x98: {  	v41 =	vadd.s32 $0x3E8, v1;
	v40 =	vld.idx.msk [tilespmem:v40+s16+$0x0], $0xffff  }
0x99: {  	v14 =	vadd.f32 v31, v14;
	v62 =	vadd.s32 $0x7D0, v1;
	v39 =	vld.idx.msk [tilespmem:v39+s16+$0x0], $0xffff  }
0x9a: {  	v12 =	vadd.f32 v27, v12;
	v17 =	vadd.f32 v34, v17;
	v63 =	vadd.s32 $0xBB8, v1;
	v42 =	vld.idx.msk [tilespmem:v38+s16+$0x0], $0xffff  }
0x9b: {  	v9 =	vadd.f32 v29, v9;
	v15 =	vadd.f32 v35, v15;
	v43 =	vadd.s32 $0xFA0, v1;
	v44 =	vld.idx.msk [tilespmem:v37+s16+$0x0], $0xffff  }
0x9c: {  	v10 =	vadd.f32 v30, v10;
	v45 =	vadd.s32 $0x1388, v1;
	v46 =	vld.idx.msk [tilespmem:v36+s15+$0x0], $0xffff;
	v8 =	vadd.f32 v25, v8  }
0x9d: {  	v11 =	vadd.f32 v28, v11;
	v48 =	vadd.s32 $0x1770, v1;
	v13 =	vadd.f32 v24, v13;
	v47 =	vld.idx.msk [tilespmem:v41+s15+$0x0], $0xffff  }
0x9e: {  	v50 =	vadd.s32 $0x1B58, v1;
	v7 =	vsub.f32 v14, v7;
	v23 =	vadd.f32 v32, v23;
	v49 =	vld.idx.msk [tilespmem:v62+s15+$0x0], $0xffff  }
0x9f: {  	v52 =	vadd.s32 $0x2710, v1;
	v2 =	vsub.f32 v12, v2;
	v3 =	vsub.f32 v17, v3;
	v51 =	vld.idx.msk [tilespmem:v63+s15+$0x0], $0xffff  }
0xa0: {  	v1 =	vadd.s32 $0x2AF8, v1;
	v4 =	vsub.f32 v9, v4;
	v6 =	vsub.f32 v15, v6;
	v29 =	vld.idx.msk [tilespmem:v43+s15+$0x0], $0xffff  }
0xa1: {  	v5 =	vsub.f32 v10, v5;
	v19 =	vadd.f32 v26, v19;
	v14 =	vld.idx.msk [tilespmem:v45+s15+$0x0], $0xffff  }
0xa2: {  	v21 =	vadd.f32 v33, v21;
	v7 =	vmul.f32 v7, v7;
	v16 =	vadd.f32 v40, v16;
	v53 =	vld.idx.msk [tilespmem:v48+s15+$0x0], $0xffff  }
0xa3: {  	v2 =	vmul.f32 v2, v2;
	v20 =	vadd.f32 v39, v20;
	v18 =	vadd.f32 v42, v18;
	v54 =	vld.idx.msk [tilespmem:v50+s15+$0x0], $0xffff  }
0xa4: {  	v5 =	vmul.f32 v5, v5;
	v22 =	vadd.f32 v44, v22;
	v8 =	vsub.f32 v8, v46;
	v55 =	vld.idx.msk [tilespmem:v52+s15+$0x0], $0xffff  }
0xa5: {  	v3 =	vmul.f32 v3, v3;
	v1 =	vld.idx.msk [tilespmem:v1+s15+$0x0], $0xffff;
	v56 =	vsub.f32 v23, v47;
	v57 =	vsub.f32 v19, v49  }
0xa6: {  	v8 =	vmul.f32 v8, v8;
	v58 =	vsub.f32 v21, v51;
	v16 =	vsub.f32 v16, v29  }
0xa7: {  	v14 =	vsub.f32 v20, v14;
	v12 =	vsub.f32 v18, v53;
	v15 =	vmul.f32 v56, v56  }
0xa8: {  	v9 =	vsub.f32 v22, v54;
	v17 =	vmul.f32 v57, v57;
	v59 =	vmul.f32 v58, v58  }
0xa9: {  	v10 =	vsub.f32 v11, v55;
	v16 =	vmul.f32 v16, v16;
	v14 =	vmul.f32 v14, v14  }
0xaa: {  	v1 =	vsub.f32 v13, v1;
	v60 =	vmul.f32 v12, v12;
	v9 =	vmul.f32 v9, v9  }
0xab: {  	v10 =	vmul.f32 v10, v10;
	v7 =	vadd.f32 v16, v7;
	v61 =	vadd.f32 v14, v15  }
0xac: {  	v1 =	vmul.f32 v1, v1;
	v11 =	vadd.f32 v60, v17;
	v9 =	vadd.f32 v9, v59  }
0xad: {  	v4 =	vmul.f32 v4, v4;
	v5 =	vadd.f32 v5, v7;
	v62 =	vadd.f32 v8, v61  }
0xae: {  	v6 =	vmul.f32 v6, v6;
	v63 =	vadd.f32 v10, v11;
	v1 =	vadd.f32 v1, v9  }
0xaf: {  	v2 =	vadd.f32 v2, v5;
	v3 =	vadd.f32 v3, v62  }
0xb0: {  	v4 =	vadd.f32 v4, v63;
	v1 =	vadd.f32 v6, v1  }
0xb1: {  	v5 =	vor.u32 s26, v0  }
0xb2: {  	v2 =	vadd.f32 v3, v2;
	v1 =	vadd.f32 v1, v4;
	_ =	sdelay $0x1  }
0xb3: {  	v1 =	vadd.f32 v1, v2;
	_ =	sdelay $0x1  }
0xb4: {  	[tilespmem:v5+s19+$0x0] =	vst.idx.msk $0xffff, v1  }
0xb5: {  	[spmem:s8] =	stream.linear.scatter [tilespmem:s19], [sflag:$0x2], $0x800, $0x38;
	[tilespmem:$0xA500] =	vst v63  }
0xb6: {  	_ =	swait.ge [sflag:s17], $0x800  }
0xb7: {  	[sflag:s17] =	ssyncset.done $0x0  }
0xb8: {  	[sflag:s17] =	ssyncadd.s32 $0xFFFFF800  }
0xb9: {  	[bflag:$0x0] =	sbarrier.arrive $0xFFFF  }
0xba: {  	[tilespmem:s19], [sflag:$0x2] =	stream.linear.gather [spmem:s9], $0x200, $0x38;
	[tilespmem:$0xA500] =	vst v63  }
0xbb: {  	_ =	swait.ge [sflag:s17], $0x200  }
0xbc: {  	[sflag:s17] =	ssyncset.done $0x0  }
0xbd: {  	[sflag:s17] =	ssyncadd.s32 $0xFFFFFE00  }
0xbe: {  	[tilespmem:s20], [sflag:$0x2] =	stream.linear.gather [spmem:s10], $0x200, $0x38;
	[tilespmem:$0xA500] =	vst v63  }
0xbf: {  	_ =	swait.ge [sflag:s17], $0x200  }
0xc0: {  	[sflag:s17] =	ssyncset.done $0x0  }
0xc1: {  	[sflag:s17] =	ssyncadd.s32 $0xFFFFFE00  }
0xc2: {  	[tilespmem:s21], [sflag:$0x2] =	stream.linear.gather [spmem:s11], $0x200, $0x38;
	[tilespmem:$0xA500] =	vst v63  }
0xc3: {  	_ =	swait.ge [sflag:s17], $0x200  }
0xc4: {  	[sflag:s17] =	ssyncset.done $0x0  }
0xc5: {  	[sflag:s17] =	ssyncadd.s32 $0xFFFFFE00  }
0xc6: {  	[tilespmem:s22], [sflag:$0x2] =	stream.linear.gather [spmem:s12], $0x200, $0x38;
	[tilespmem:$0xA500] =	vst v63  }
0xc7: {  	_ =	swait.ge [sflag:s17], $0x200  }
0xc8: {  	[sflag:s17] =	ssyncset.done $0x0  }
0xc9: {  	s24 =	simm.s32 $0x0;
	[sflag:s17] =	ssyncadd.s32 $0xFFFFFE00  }
0xca: {  	v1 =	vld [tilespmem:s24+$0x9700]  }
0xcb: {  	v2 =	vld [tilespmem:s24+$0x9900]  }
0xcc: {  	s25 =	simm.s32 $0x40;
	v3 =	vld [tilespmem:s24+$0x9B00]  }
.LBB2_4:
0xcd: {  	p0 =	sne.s32 s25, $0x7C0;
	v4 =	vld [tilespmem:s24+$0x9500];
	_ =	sdelay $0x4  }
0xce: {  	v2 =	vadd.f32 v3, v2;
	v1 =	vadd.f32 v1, v4;
	_ =	sdelay $0x1  }
0xcf: {  	v2 =	vadd.f32 v2, v1;
	_ =	sdelay $0x1  }
0xd0: {  	v1 =	vshra.s32 v2, $0x1;
	v3 =	vmul.f32 $5.000000000e-01, v2  }
0xd1: {  	v1 =	vsub.s32 $0x5F3759DF, v1  }
0xd2: {  	v4 =	vmul.f32 v1, v3;
	_ =	sdelay $0x1  }
0xd3: {  	v4 =	vmul.f32 v1, v4;
	_ =	sdelay $0x1  }
0xd4: {  	v4 =	vsub.f32 $1.500000000e+00, v4;
	_ =	sdelay $0x1  }
0xd5: {  	v1 =	vmul.f32 v1, v4;
	_ =	sdelay $0x1  }
0xd6: {  	v4 =	vmul.f32 v1, v3;
	_ =	sdelay $0x1  }
0xd7: {  	v4 =	vmul.f32 v4, v1;
	_ =	sdelay $0x1  }
0xd8: {  	v4 =	vsub.f32 $1.500000000e+00, v4;
	_ =	sdelay $0x1  }
0xd9: {  	v1 =	vmul.f32 v4, v1;
	_ =	sdelay $0x1  }
0xda: {  	v3 =	vmul.f32 v1, v3;
	_ =	sdelay $0x1  }
0xdb: {  	v3 =	vmul.f32 v3, v1;
	_ =	sdelay $0x1  }
0xdc: {  	v3 =	vsub.f32 $1.500000000e+00, v3;
	_ =	sdelay $0x1  }
.Ltmp1:
0xdd: {  	v3 =	vmul.f32 v3, v1;
	(pc) =	sbr.rel @p0 .LBB2_4-.Ltmp1, $4  }
0xde: {  	s26 =	sshra.s32 s25, $0x2  }
0xdf: {  	v1 =	vld [tilespmem:s26+$0x9700];
	v4 =	vmul.f32 v3, v2  }
0xe0: {  	v2 =	vld [tilespmem:s26+$0x9900]  }
0xe1: {  	s25 =	sadd.s32 $0x40, s25;
	v3 =	vld [tilespmem:s26+$0x9B00];
	[tilespmem:s24+$0x9500] =	vst v4;
	s24 =	smov.u32 s26  }
0xe2: {  	v4 =	vld [tilespmem:s24+$0x9500];
	_ =	sdelay $0x4  }
0xe3: {  	v2 =	vadd.f32 v3, v2;
	v1 =	vadd.f32 v1, v4;
	_ =	sdelay $0x1  }
0xe4: {  	v1 =	vadd.f32 v2, v1;
	_ =	sdelay $0x1  }
0xe5: {  	v2 =	vshra.s32 v1, $0x1;
	v3 =	vmul.f32 $5.000000000e-01, v1  }
0xe6: {  	v2 =	vsub.s32 $0x5F3759DF, v2  }
0xe7: {  	v63 =	vmul.f32 v2, v3;
	_ =	sdelay $0x1  }
0xe8: {  	v4 =	vmul.f32 v2, v63;
	_ =	sdelay $0x1  }
0xe9: {  	v4 =	vsub.f32 $1.500000000e+00, v4;
	_ =	sdelay $0x1  }
0xea: {  	v2 =	vmul.f32 v2, v4;
	_ =	sdelay $0x1  }
0xeb: {  	v4 =	vmul.f32 v2, v3;
	_ =	sdelay $0x1  }
0xec: {  	v4 =	vmul.f32 v4, v2;
	_ =	sdelay $0x1  }
0xed: {  	v4 =	vsub.f32 $1.500000000e+00, v4;
	_ =	sdelay $0x1  }
0xee: {  	v2 =	vmul.f32 v4, v2;
	_ =	sdelay $0x1  }
0xef: {  	v3 =	vmul.f32 v2, v3;
	_ =	sdelay $0x1  }
0xf0: {  	v3 =	vmul.f32 v3, v2;
	_ =	sdelay $0x1  }
0xf1: {  	v3 =	vsub.f32 $1.500000000e+00, v3;
	_ =	sdelay $0x1  }
0xf2: {  	v2 =	vmul.f32 v3, v2;
	_ =	sdelay $0x1  }
0xf3: {  	s23 =	sadd.s32 $0x1, s23;
	v1 =	vmul.f32 v2, v1  }
0xf4: {  	p0 =	sne.s32 s23, s14  }
.Ltmp2:
0xf5: {  	[tilespmem:s24+$0x9500] =	vst v1;
	(pc) =	sbr.rel @p0 .LBB2_1-.Ltmp2, $4  }
0xf6: {  	[hbm4b:s13+s2] =	stream.linear.scatter [tilespmem:s19], [sflag:$0x2], $0x200, $0x38;
	[tilespmem:$0xA500] =	vst v63  }
0xf7: {  	_ =	swait.ge [sflag:s17], $0x200  }
0xf8: {  	[sflag:s17] =	ssyncset.done $0x0  }
0xf9: {  	[sflag:s17] =	ssyncadd.s32 $0xFFFFFE00  }
0xfa: {  	_ =	sfence.sel $0x180000  }
0xfb: {  	[bflag:$0x0] =	sbarrier.arrive $0xFFFF  }
0xfc: {  	p0 =	sne.s32 s1, $0x0;
	_ =	strace $0x90000047  }
0xfd: {  	s0 =	sadd.s32 @!p0 $0x100000, s0;
	[bflag:$0x2] =	sbarrier.arrive $0xFFFF  }
0xfe: {  	[sflag:s0] =	ssyncadd.tile.s32 @!p0 $0x1;
	_ =	shalt  }
.Lfunc_end2:
_tile_overlayer_lowered:
.L_overlay_start_2:
0xff: {  	(tag) =	ssettag $0x2  }
0x100: {  	s0 =	rddreg [dreg:$0x0];
	s2 =	stileid.u32  }
0x101: {  	s1 =	rddreg [dreg:$0x1];
	p0 =	sne.s32 s2, $0x0  }
0x102: {  	s3 =	rddreg [dreg:$0x2];
	[bflag:$0x3] =	sbarrier.arrive $0xFFFF;
	s2 =	simm.s32 @!p0 $0x1C02  }
0x103: {  	[timem:s3], [sflag:s2] =	dma.local @!p0 [hbm:s0], s1  }
0x104: {  	s0 =	simm.s32 @!p0 $0x2  }
0x105: {  	_ =	swait.ge @!p0 [sflag:s0], s1  }
0x106: {  	s1 =	ssub.s32 @!p0 $0x0, s1;
	[sflag:s0] =	ssyncset.done @!p0 $0x0  }
0x107: {  	[sflag:s0] =	ssyncadd.s32 @!p0 s1  }
0x108: {  	[bflag:$0x3] =	sbarrier.arrive $0xFFFF  }
0x109: {  	_ =	shalt  }

</sc_bundles>
